<compile_context>
chip_gen: v7x
topology: tpu7x:2x2x1
jax: 0.10.2.dev20260603
libtpu: 0.0.44.dev20260713+nightly
codegen_flags: <defaults>
</compile_context>

<pallas_src>
import math

import jax
import jax.numpy as jnp
from jax import lax
from jax.experimental import pallas as pl
from jax.experimental.pallas import tpu as pltpu
from jax.experimental.pallas import tpu_sc as plsc

N_NEURONS = 512
SEQ_LEN = 512
SIGMA = 2.0
N_EVENTS = 65536
B = 16

ROWS = B * N_NEURONS
ROW_BLOCK = 2048
TOTAL = ROWS * SEQ_LEN
PACKED = TOTAL // 4
KCOL = SEQ_LEN // 4

NC, NS, L = 2, 16, 16
HALFP = PACKED // 2
EV_PER_TILE = N_EVENTS // NS
SCAT = 128
NBATCH = EV_PER_TILE // SCAT
SLICE = HALFP // NS
ZBUF = 8192


def _hist_body(flat_hbm, counts_hbm, idx_v, sidx, sval, zbuf,
               shared, sem, zsem):
    c = lax.axis_index("c")
    s = lax.axis_index("s")
    base = c * HALFP

    idx_cp = pltpu.async_copy(
        flat_hbm.at[pl.ds(s * EV_PER_TILE, EV_PER_TILE)], idx_v, sem)

    zeros16 = jnp.zeros((L,), jnp.int32)

    def zb(i, carry):
        zbuf[pl.ds(i * L, L)] = zeros16
        return carry

    lax.fori_loop(0, ZBUF // L, zb, 0)

    zero_cps = [
        pltpu.async_copy(
            zbuf, shared.at[pl.ds(s * SLICE + z * ZBUF, ZBUF)], zsem)
        for z in range(SLICE // ZBUF)
    ]
    idx_cp.wait()

    lanes = lax.iota(jnp.int32, L)

    def fill(j, carry):
        def vec(k, carry2):
            v = idx_v[pl.ds(j * SCAT + k * L, L)]
            loc = (v >> 2) - base
            inr = (loc >= 0) & (loc < HALFP)
            dump = HALFP + k * L + lanes
            sidx[j, pl.ds(k * L, L)] = jnp.where(inr, loc, dump)
            sval[j, pl.ds(k * L, L)] = jnp.int32(1) << ((v & 3) * 8)
            return carry2

        return lax.fori_loop(0, SCAT // L, vec, carry)

    lax.fori_loop(0, NBATCH, fill, 0)

    for zc in zero_cps:
        zc.wait()
    plsc.subcore_barrier()

    copies = [
        pltpu.async_copy(sval.at[j], shared.at[sidx.at[j]], sem, add=True)
        for j in range(NBATCH)
    ]
    for cp in copies:
        cp.wait()
    plsc.subcore_barrier()

    pltpu.sync_copy(
        shared.at[pl.ds(s * SLICE, SLICE)],
        counts_hbm.at[pl.ds(base + s * SLICE, SLICE)],
    )


def _sc_histogram(flat_idx):
    return pl.kernel(
        _hist_body,
        out_type=jax.ShapeDtypeStruct((PACKED,), jnp.int32),
        mesh=plsc.VectorSubcoreMesh(core_axis_name="c", subcore_axis_name="s"),
        scratch_types=[
            pltpu.VMEM((EV_PER_TILE,), jnp.int32),
            pltpu.VMEM((NBATCH, SCAT), jnp.int32),
            pltpu.VMEM((NBATCH, SCAT), jnp.int32),
            pltpu.VMEM((ZBUF,), jnp.int32),
            pltpu.VMEM_SHARED((HALFP + SCAT,), jnp.int32),
            pltpu.SemaphoreType.DMA,
            pltpu.SemaphoreType.DMA,
        ],
    )(flat_idx)


def _matmul_body(packed_ref, out_ref, g0_ref, g1_ref, g2_ref, g3_ref):
    grefs = (g0_ref, g1_ref, g2_ref, g3_ref)

    @pl.when(pl.program_id(0) == 0)
    def _():
        t4 = jax.lax.broadcasted_iota(jnp.int32, (KCOL, SEQ_LEN), 0) * 4
        sc = jax.lax.broadcasted_iota(jnp.int32, (KCOL, SEQ_LEN), 1)
        norm = 1.0 / (SIGMA * math.sqrt(2.0 * math.pi))
        for r in range(4):
            d = (sc - (t4 + r)).astype(jnp.float32) / SIGMA
            grefs[r][...] = (jnp.exp(-0.5 * d * d) * norm).astype(jnp.bfloat16)

    packed = packed_ref[...].reshape(ROW_BLOCK, KCOL)
    acc = jnp.zeros((ROW_BLOCK, SEQ_LEN), jnp.float32)
    for r in range(4):
        byte = (jax.lax.shift_right_logical(packed, 8 * r) & 0xFF)
        acc = acc + jax.lax.dot(
            byte.astype(jnp.bfloat16), grefs[r][...],
            preferred_element_type=jnp.float32,
        )
    out_ref[...] = acc


def _gauss_matmul(packed):
    return pl.pallas_call(
        _matmul_body,
        grid=(ROWS // ROW_BLOCK,),
        in_specs=[pl.BlockSpec((ROW_BLOCK * KCOL,), lambda i: (i,))],
        out_specs=pl.BlockSpec((ROW_BLOCK, SEQ_LEN), lambda i: (i, 0)),
        out_shape=jax.ShapeDtypeStruct((ROWS, SEQ_LEN), jnp.float32),
        scratch_shapes=[
            pltpu.VMEM((KCOL, SEQ_LEN), jnp.bfloat16),
            pltpu.VMEM((KCOL, SEQ_LEN), jnp.bfloat16),
            pltpu.VMEM((KCOL, SEQ_LEN), jnp.bfloat16),
            pltpu.VMEM((KCOL, SEQ_LEN), jnp.bfloat16),
        ],
    )(packed)


def kernel(events, batch_idx):
    times = events[:, 0].astype(jnp.int32)
    neurons = events[:, 1].astype(jnp.int32)
    flat = (batch_idx * N_NEURONS + neurons) * SEQ_LEN + times
    out = _gauss_matmul(_sc_histogram(flat))
    return out.reshape(B, N_NEURONS, SEQ_LEN)

# --- scband reference (transcript-rebuilt; emitter-appended) ---
"""Pipeline reference for scband-spike-encoder-3238405341757 (READ-ONLY COPY).

The authoritative reference and input builder live on the scoring server;
editing this copy changes nothing except your own understanding.
"""

import jax, jax.numpy as jnp
import numpy as np
import math

N_NEURONS = 512
SEQ_LEN = 512
SIGMA = 2.0
N_EVENTS = 65536
B = 16


def setup_inputs(seed: int = 0) -> dict:
    key = jax.random.key(seed)
    k1, k2 = jax.random.split(key)
    # events[:, 0] = spike times in [0, SEQ_LEN), events[:, 1] = neuron ids in [0, N_NEURONS)
    events = jax.random.randint(k1, (N_EVENTS, 2), 0, SEQ_LEN).astype(jnp.float32)
    batch_idx = jax.random.randint(k2, (N_EVENTS,), 0, B, dtype=jnp.int32)
    return {"events": events, "batch_idx": batch_idx}


def reference(events, batch_idx):
    # Faithful translation of SpikeEncoder.forward
    t_axis = jnp.arange(SEQ_LEN, dtype=jnp.float32)
    # B = batch_idx.max() + 1 in torch; fixed statically to 16 here (randint(0,16) over 65536
    # samples attains 15 with overwhelming probability)
    times = events[:, 0].astype(jnp.float32)
    neurons = events[:, 1].astype(jnp.int32)
    diff = t_axis[None, :] - times[:, None]                      # [N_EVENTS, SEQ_LEN]
    kernels = jnp.exp(-0.5 * (diff / SIGMA) ** 2)
    kernels = kernels / (SIGMA * math.sqrt(2.0 * math.pi))
    linear_idx = batch_idx.astype(jnp.int32) * N_NEURONS + neurons  # [N_EVENTS]
    flat_output = jnp.zeros((B * N_NEURONS, SEQ_LEN), dtype=jnp.float32)
    # torch scatter_add_ along dim=0 with row-expanded index == row-wise add-at
    flat_output = flat_output.at[linear_idx].add(kernels)
    return flat_output.reshape(B, N_NEURONS, SEQ_LEN)

if __name__ == "__main__":
    import jax
    _d = setup_inputs()
    print(jax.jit(kernel)(*tuple(_d.values())))

</pallas_src>

<mosaic_0001>
#map = affine_map<(d0, d1) -> (0)>
module attributes {stable_mosaic.version = 14 : i64} {
  func.func @_hist_body(%arg0: i32, %arg1: i32, %arg2: memref<65536xi32, #tpu.memory_space<hbm>>, %arg3: memref<1048576xi32, #tpu.memory_space<hbm>>, %arg4: memref<4096xi32, #tpu.memory_space<vmem>>, %arg5: memref<32x128xi32, #tpu.memory_space<vmem>>, %arg6: memref<32x128xi32, #tpu.memory_space<vmem>>, %arg7: memref<8192xi32, #tpu.memory_space<vmem>>, %arg8: memref<524416xi32, #tpu.memory_space<vmem_shared>>, %arg9: memref<!tpu.dma_semaphore, #tpu.memory_space<semaphore_mem>>, %arg10: memref<!tpu.dma_semaphore, #tpu.memory_space<semaphore_mem>>) attributes {dimension_semantics = [#tpu.dimension_semantics<core_parallel>, #tpu.dimension_semantics<subcore_parallel>], iteration_bounds = array<i64: 2, 16>, scalar_prefetch = 0 : i64, scratch_operands = 7 : i64, tpu.core_type = #tpu.core_type<sc_vector_subcore>, window_params = [{transform_indices = #map}, {transform_indices = #map}]} {
    %mul3A = arith.constant 524288 : i32
    %mul3A_0 = arith.muli %arg0, %mul3A : i32
    %mul3A_1 = arith.constant 4096 : i32
    %mul3A_2 = arith.muli %arg1, %mul3A_1 : i32
    %dma_start3A = tpu.memref_slice %arg2[%mul3A_2] : memref<65536xi32, #tpu.memory_space<hbm>> -> memref<4096xi32, #tpu.memory_space<hbm>>
    %dma_start3A_3 = tpu.memref_slice %arg2[%mul3A_2] : memref<65536xi32, #tpu.memory_space<hbm>> -> memref<4096xi32, #tpu.memory_space<hbm>>
    tpu.enqueue_dma source(%dma_start3A_3 : memref<4096xi32, #tpu.memory_space<hbm>>) target(%arg4 : memref<4096xi32, #tpu.memory_space<vmem>>) target_semaphore(%arg9 : memref<!tpu.dma_semaphore, #tpu.memory_space<semaphore_mem>>)
    %broadcast_in_dim3A = arith.constant 0 : i32
    %broadcast_in_dim3A_4 = vector.broadcast %broadcast_in_dim3A : i32 to vector<16xi32>
    %scan3A = arith.constant 0 : i32
    %scan3A_5 = arith.constant 0 : i32
    %scan3A_6 = arith.constant 512 : i32
    %scan3A_7 = arith.addi %scan3A_5, %scan3A_6 : i32
    %scan3A_8 = arith.constant 1 : i32
    scf.for %scan3A_694 = %scan3A_5 to %scan3A_7 step %scan3A_8  : i32 {
      %mul3A_695 = arith.constant 16 : i32
      %mul3A_696 = arith.muli %scan3A_694, %mul3A_695 : i32
      %swap3A = arith.index_cast %mul3A_696 : i32 to index
      %swap3A_697 = tpu.vector_load %arg7[%swap3A] {strides = array<i32>} : memref<8192xi32, #tpu.memory_space<vmem>>, vector<16xi32>,
      %swap3A_698 = vector.shape_cast %swap3A_697 : vector<16xi32> to vector<16xi32>
      %swap3A_699 = vector.shape_cast %broadcast_in_dim3A_4 : vector<16xi32> to vector<16xi32>
      tpu.vector_store %arg7[%swap3A], %swap3A_699 {strides = array<i32>} : memref<8192xi32, #tpu.memory_space<vmem>>, vector<16xi32>,
    }
    %scan3A_9 = arith.constant 512 : i32
    %mul3A_10 = arith.constant 32768 : i32
    %mul3A_11 = arith.muli %arg1, %mul3A_10 : i32
    %add3A = arith.constant 0 : i32
    %add3A_12 = arith.addi %mul3A_11, %add3A : i32
    %dma_start3A_13 = tpu.memref_slice %arg8[%add3A_12] : memref<524416xi32, #tpu.memory_space<vmem_shared>> -> memref<8192xi32, #tpu.memory_space<vmem_shared>>
    %dma_start3A_14 = tpu.memref_slice %arg8[%add3A_12] : memref<524416xi32, #tpu.memory_space<vmem_shared>> -> memref<8192xi32, #tpu.memory_space<vmem_shared>>
    tpu.enqueue_dma source(%arg7 : memref<8192xi32, #tpu.memory_space<vmem>>) target(%dma_start3A_14 : memref<8192xi32, #tpu.memory_space<vmem_shared>>) target_semaphore(%arg10 : memref<!tpu.dma_semaphore, #tpu.memory_space<semaphore_mem>>)
    %mul3A_15 = arith.constant 32768 : i32
    %mul3A_16 = arith.muli %arg1, %mul3A_15 : i32
    %add3A_17 = arith.constant 8192 : i32
    %add3A_18 = arith.addi %mul3A_16, %add3A_17 : i32
    %dma_start3A_19 = tpu.memref_slice %arg8[%add3A_18] : memref<524416xi32, #tpu.memory_space<vmem_shared>> -> memref<8192xi32, #tpu.memory_space<vmem_shared>>
    %dma_start3A_20 = tpu.memref_slice %arg8[%add3A_18] : memref<524416xi32, #tpu.memory_space<vmem_shared>> -> memref<8192xi32, #tpu.memory_space<vmem_shared>>
    tpu.enqueue_dma source(%arg7 : memref<8192xi32, #tpu.memory_space<vmem>>) target(%dma_start3A_20 : memref<8192xi32, #tpu.memory_space<vmem_shared>>) target_semaphore(%arg10 : memref<!tpu.dma_semaphore, #tpu.memory_space<semaphore_mem>>)
    %mul3A_21 = arith.constant 32768 : i32
    %mul3A_22 = arith.muli %arg1, %mul3A_21 : i32
    %add3A_23 = arith.constant 16384 : i32
    %add3A_24 = arith.addi %mul3A_22, %add3A_23 : i32
    %dma_start3A_25 = tpu.memref_slice %arg8[%add3A_24] : memref<524416xi32, #tpu.memory_space<vmem_shared>> -> memref<8192xi32, #tpu.memory_space<vmem_shared>>
    %dma_start3A_26 = tpu.memref_slice %arg8[%add3A_24] : memref<524416xi32, #tpu.memory_space<vmem_shared>> -> memref<8192xi32, #tpu.memory_space<vmem_shared>>
    tpu.enqueue_dma source(%arg7 : memref<8192xi32, #tpu.memory_space<vmem>>) target(%dma_start3A_26 : memref<8192xi32, #tpu.memory_space<vmem_shared>>) target_semaphore(%arg10 : memref<!tpu.dma_semaphore, #tpu.memory_space<semaphore_mem>>)
    %mul3A_27 = arith.constant 32768 : i32
    %mul3A_28 = arith.muli %arg1, %mul3A_27 : i32
    %add3A_29 = arith.constant 24576 : i32
    %add3A_30 = arith.addi %mul3A_28, %add3A_29 : i32
    %dma_start3A_31 = tpu.memref_slice %arg8[%add3A_30] : memref<524416xi32, #tpu.memory_space<vmem_shared>> -> memref<8192xi32, #tpu.memory_space<vmem_shared>>
    %dma_start3A_32 = tpu.memref_slice %arg8[%add3A_30] : memref<524416xi32, #tpu.memory_space<vmem_shared>> -> memref<8192xi32, #tpu.memory_space<vmem_shared>>
    tpu.enqueue_dma source(%arg7 : memref<8192xi32, #tpu.memory_space<vmem>>) target(%dma_start3A_32 : memref<8192xi32, #tpu.memory_space<vmem_shared>>) target_semaphore(%arg10 : memref<!tpu.dma_semaphore, #tpu.memory_space<semaphore_mem>>)
    %dma_wait3A = tpu.memref_slice %arg2[%mul3A_2] : memref<65536xi32, #tpu.memory_space<hbm>> -> memref<4096xi32, #tpu.memory_space<hbm>>
    %dma_wait3A_33 = tpu.memref_slice %arg2[%mul3A_2] : memref<65536xi32, #tpu.memory_space<hbm>> -> memref<4096xi32, #tpu.memory_space<hbm>>
    tpu.wait_dma2 semaphore(%arg9 : memref<!tpu.dma_semaphore, #tpu.memory_space<semaphore_mem>>) src(%dma_wait3A_33 : memref<4096xi32, #tpu.memory_space<hbm>>) dst(%arg4 : memref<4096xi32, #tpu.memory_space<vmem>>)
    %iota3A = tpu.iota {dimensions = array<i32: 0>} : vector<16xi32>
    %scan3A_34 = arith.constant 0 : i32
    %scan3A_35 = arith.constant 0 : i32
    %scan3A_36 = arith.constant 32 : i32
    %scan3A_37 = arith.addi %scan3A_35, %scan3A_36 : i32
    %scan3A_38 = arith.constant 1 : i32
    scf.for %scan3A_694 = %scan3A_35 to %scan3A_37 step %scan3A_38  : i32 {
      %scan3A_695 = arith.constant 0 : i32
      %scan3A_696 = arith.constant 8 : i32
      %scan3A_697 = arith.addi %scan3A_695, %scan3A_696 : i32
      %scan3A_698 = arith.constant 1 : i32
      scf.for %scan3A_700 = %scan3A_695 to %scan3A_697 step %scan3A_698  : i32 {
        %mul3A_701 = arith.constant 128 : i32
        %mul3A_702 = arith.muli %scan3A_694, %mul3A_701 : i32
        %mul3A_703 = arith.constant 16 : i32
        %mul3A_704 = arith.muli %scan3A_700, %mul3A_703 : i32
        %add3A_705 = arith.addi %mul3A_702, %mul3A_704 : i32
        %get3A = arith.index_cast %add3A_705 : i32 to index
        %get3A_706 = tpu.vector_load %arg4[%get3A] {strides = array<i32>} : memref<4096xi32, #tpu.memory_space<vmem>>, vector<16xi32>,
        %get3A_707 = vector.shape_cast %get3A_706 : vector<16xi32> to vector<16xi32>
        %shift_right_arithmetic3A = arith.constant 2 : i32
        %shift_right_arithmetic3A_708 = vector.broadcast %shift_right_arithmetic3A : i32 to vector<16xi32>
        %shift_right_arithmetic3A_709 = arith.shrsi %get3A_707, %shift_right_arithmetic3A_708 : vector<16xi32>
        %sub3A = vector.broadcast %mul3A_0 : i32 to vector<16xi32>
        %sub3A_710 = arith.subi %shift_right_arithmetic3A_709, %sub3A : vector<16xi32>
        %ge3A = arith.constant 0 : i32
        %ge3A_711 = vector.broadcast %ge3A : i32 to vector<16xi32>
        %ge3A_712 = arith.cmpi sge, %sub3A_710, %ge3A_711 : vector<16xi32>
        %lt3A = arith.constant 524288 : i32
        %lt3A_713 = vector.broadcast %lt3A : i32 to vector<16xi32>
        %lt3A_714 = arith.cmpi slt, %sub3A_710, %lt3A_713 : vector<16xi32>
        %and3A = arith.andi %ge3A_712, %lt3A_714 : vector<16xi1>
        %mul3A_715 = arith.constant 16 : i32
        %mul3A_716 = arith.muli %scan3A_700, %mul3A_715 : i32
        %add3A_717 = arith.constant 524288 : i32
        %add3A_718 = arith.addi %add3A_717, %mul3A_716 : i32
        %add3A_719 = vector.broadcast %add3A_718 : i32 to vector<16xi32>
        %add3A_720 = arith.addi %add3A_719, %iota3A : vector<16xi32>
        %select_n3A = arith.select %and3A, %sub3A_710, %add3A_720 : vector<16xi1>, vector<16xi32>
        %mul3A_721 = arith.constant 16 : i32
        %mul3A_722 = arith.muli %scan3A_700, %mul3A_721 : i32
        %swap3A = arith.index_cast %scan3A_694 : i32 to index
        %swap3A_723 = arith.index_cast %mul3A_722 : i32 to index
        %swap3A_724 = tpu.vector_load %arg5[%swap3A, %swap3A_723] {strides = array<i32>} : memref<32x128xi32, #tpu.memory_space<vmem>>, vector<1x16xi32>,
        %swap3A_725 = vector.shape_cast %swap3A_724 : vector<1x16xi32> to vector<16xi32>
        %swap3A_726 = vector.shape_cast %select_n3A : vector<16xi32> to vector<1x16xi32>
        tpu.vector_store %arg5[%swap3A, %swap3A_723], %swap3A_726 {strides = array<i32>} : memref<32x128xi32, #tpu.memory_space<vmem>>, vector<1x16xi32>,
        %and3A_727 = arith.constant 3 : i32
        %and3A_728 = vector.broadcast %and3A_727 : i32 to vector<16xi32>
        %and3A_729 = arith.andi %get3A_707, %and3A_728 : vector<16xi32>
        %mul3A_730 = arith.constant 8 : i32
        %mul3A_731 = vector.broadcast %mul3A_730 : i32 to vector<16xi32>
        %mul3A_732 = arith.muli %and3A_729, %mul3A_731 : vector<16xi32>
        %shift_left3A = arith.constant 1 : i32
        %shift_left3A_733 = vector.broadcast %shift_left3A : i32 to vector<16xi32>
        %shift_left3A_734 = arith.shli %shift_left3A_733, %mul3A_732 : vector<16xi32>
        %mul3A_735 = arith.constant 16 : i32
        %mul3A_736 = arith.muli %scan3A_700, %mul3A_735 : i32
        %swap3A_737 = arith.index_cast %scan3A_694 : i32 to index
        %swap3A_738 = arith.index_cast %mul3A_736 : i32 to index
        %swap3A_739 = tpu.vector_load %arg6[%swap3A_737, %swap3A_738] {strides = array<i32>} : memref<32x128xi32, #tpu.memory_space<vmem>>, vector<1x16xi32>,
        %swap3A_740 = vector.shape_cast %swap3A_739 : vector<1x16xi32> to vector<16xi32>
        %swap3A_741 = vector.shape_cast %shift_left3A_734 : vector<16xi32> to vector<1x16xi32>
        tpu.vector_store %arg6[%swap3A_737, %swap3A_738], %swap3A_741 {strides = array<i32>} : memref<32x128xi32, #tpu.memory_space<vmem>>, vector<1x16xi32>,
      }
      %scan3A_699 = arith.constant 8 : i32
    }
    %scan3A_39 = arith.constant 32 : i32
    %dma_wait3A_40 = tpu.memref_slice %arg8[%add3A_12] : memref<524416xi32, #tpu.memory_space<vmem_shared>> -> memref<8192xi32, #tpu.memory_space<vmem_shared>>
    %dma_wait3A_41 = tpu.memref_slice %arg8[%add3A_12] : memref<524416xi32, #tpu.memory_space<vmem_shared>> -> memref<8192xi32, #tpu.memory_space<vmem_shared>>
    tpu.wait_dma2 semaphore(%arg10 : memref<!tpu.dma_semaphore, #tpu.memory_space<semaphore_mem>>) src(%arg7 : memref<8192xi32, #tpu.memory_space<vmem>>) dst(%dma_wait3A_41 : memref<8192xi32, #tpu.memory_space<vmem_shared>>)
    %dma_wait3A_42 = tpu.memref_slice %arg8[%add3A_18] : memref<524416xi32, #tpu.memory_space<vmem_shared>> -> memref<8192xi32, #tpu.memory_space<vmem_shared>>
    %dma_wait3A_43 = tpu.memref_slice %arg8[%add3A_18] : memref<524416xi32, #tpu.memory_space<vmem_shared>> -> memref<8192xi32, #tpu.memory_space<vmem_shared>>
    tpu.wait_dma2 semaphore(%arg10 : memref<!tpu.dma_semaphore, #tpu.memory_space<semaphore_mem>>) src(%arg7 : memref<8192xi32, #tpu.memory_space<vmem>>) dst(%dma_wait3A_43 : memref<8192xi32, #tpu.memory_space<vmem_shared>>)
    %dma_wait3A_44 = tpu.memref_slice %arg8[%add3A_24] : memref<524416xi32, #tpu.memory_space<vmem_shared>> -> memref<8192xi32, #tpu.memory_space<vmem_shared>>
    %dma_wait3A_45 = tpu.memref_slice %arg8[%add3A_24] : memref<524416xi32, #tpu.memory_space<vmem_shared>> -> memref<8192xi32, #tpu.memory_space<vmem_shared>>
    tpu.wait_dma2 semaphore(%arg10 : memref<!tpu.dma_semaphore, #tpu.memory_space<semaphore_mem>>) src(%arg7 : memref<8192xi32, #tpu.memory_space<vmem>>) dst(%dma_wait3A_45 : memref<8192xi32, #tpu.memory_space<vmem_shared>>)
    %dma_wait3A_46 = tpu.memref_slice %arg8[%add3A_30] : memref<524416xi32, #tpu.memory_space<vmem_shared>> -> memref<8192xi32, #tpu.memory_space<vmem_shared>>
    %dma_wait3A_47 = tpu.memref_slice %arg8[%add3A_30] : memref<524416xi32, #tpu.memory_space<vmem_shared>> -> memref<8192xi32, #tpu.memory_space<vmem_shared>>
    tpu.wait_dma2 semaphore(%arg10 : memref<!tpu.dma_semaphore, #tpu.memory_space<semaphore_mem>>) src(%arg7 : memref<8192xi32, #tpu.memory_space<vmem>>) dst(%dma_wait3A_47 : memref<8192xi32, #tpu.memory_space<vmem_shared>>)
    %barrier3A = arith.constant 0 : index
    tpu.barrier barrier_id(%barrier3A)
    %dma_start3A_48 = arith.constant 0 : i32
    %dma_start3A_49 = arith.constant 0 : i32
    %dma_start3A_50 = arith.constant 0 : i32
    %dma_start3A_51 = tpu.memref_slice %arg6[%dma_start3A_48, %dma_start3A_50] : memref<32x128xi32, #tpu.memory_space<vmem>> -> memref<1x128xi32, #tpu.memory_space<vmem>>
    %dma_start3A_52 = tpu.memref_squeeze %dma_start3A_51 : memref<1x128xi32, #tpu.memory_space<vmem>> -> memref<128xi32, #tpu.memory_space<vmem>>
    %dma_start3A_53 = arith.constant 0 : i32
    %dma_start3A_54 = tpu.memref_slice %arg5[%dma_start3A_49, %dma_start3A_53] : memref<32x128xi32, #tpu.memory_space<vmem>> -> memref<1x128xi32, #tpu.memory_space<vmem>>
    %dma_start3A_55 = tpu.memref_squeeze %dma_start3A_54 : memref<1x128xi32, #tpu.memory_space<vmem>> -> memref<128xi32, #tpu.memory_space<vmem>>
    %dma_start3A_56 = arith.constant 0 : i32
    %dma_start3A_57 = tpu.memref_slice %arg8[%dma_start3A_56] : memref<524416xi32, #tpu.memory_space<vmem_shared>> -> memref<524416xi32, #tpu.memory_space<vmem_shared>>
    tpu.enqueue_indirect_dma source(%dma_start3A_52 : memref<128xi32, #tpu.memory_space<vmem>>) target(%dma_start3A_57 : memref<524416xi32, #tpu.memory_space<vmem_shared>>) offsets(%dma_start3A_55 : memref<128xi32, #tpu.memory_space<vmem>>) semaphore(%arg9 : memref<!tpu.dma_semaphore, #tpu.memory_space<semaphore_mem>>) {add = true}
    %dma_start3A_58 = arith.constant 1 : i32
    %dma_start3A_59 = arith.constant 1 : i32
    %dma_start3A_60 = arith.constant 0 : i32
    %dma_start3A_61 = tpu.memref_slice %arg6[%dma_start3A_58, %dma_start3A_60] : memref<32x128xi32, #tpu.memory_space<vmem>> -> memref<1x128xi32, #tpu.memory_space<vmem>>
    %dma_start3A_62 = tpu.memref_squeeze %dma_start3A_61 : memref<1x128xi32, #tpu.memory_space<vmem>> -> memref<128xi32, #tpu.memory_space<vmem>>
    %dma_start3A_63 = arith.constant 0 : i32
    %dma_start3A_64 = tpu.memref_slice %arg5[%dma_start3A_59, %dma_start3A_63] : memref<32x128xi32, #tpu.memory_space<vmem>> -> memref<1x128xi32, #tpu.memory_space<vmem>>
    %dma_start3A_65 = tpu.memref_squeeze %dma_start3A_64 : memref<1x128xi32, #tpu.memory_space<vmem>> -> memref<128xi32, #tpu.memory_space<vmem>>
    %dma_start3A_66 = arith.constant 0 : i32
    %dma_start3A_67 = tpu.memref_slice %arg8[%dma_start3A_66] : memref<524416xi32, #tpu.memory_space<vmem_shared>> -> memref<524416xi32, #tpu.memory_space<vmem_shared>>
    tpu.enqueue_indirect_dma source(%dma_start3A_62 : memref<128xi32, #tpu.memory_space<vmem>>) target(%dma_start3A_67 : memref<524416xi32, #tpu.memory_space<vmem_shared>>) offsets(%dma_start3A_65 : memref<128xi32, #tpu.memory_space<vmem>>) semaphore(%arg9 : memref<!tpu.dma_semaphore, #tpu.memory_space<semaphore_mem>>) {add = true}
    %dma_start3A_68 = arith.constant 2 : i32
    %dma_start3A_69 = arith.constant 2 : i32
    %dma_start3A_70 = arith.constant 0 : i32
    %dma_start3A_71 = tpu.memref_slice %arg6[%dma_start3A_68, %dma_start3A_70] : memref<32x128xi32, #tpu.memory_space<vmem>> -> memref<1x128xi32, #tpu.memory_space<vmem>>
    %dma_start3A_72 = tpu.memref_squeeze %dma_start3A_71 : memref<1x128xi32, #tpu.memory_space<vmem>> -> memref<128xi32, #tpu.memory_space<vmem>>
    %dma_start3A_73 = arith.constant 0 : i32
    %dma_start3A_74 = tpu.memref_slice %arg5[%dma_start3A_69, %dma_start3A_73] : memref<32x128xi32, #tpu.memory_space<vmem>> -> memref<1x128xi32, #tpu.memory_space<vmem>>
    %dma_start3A_75 = tpu.memref_squeeze %dma_start3A_74 : memref<1x128xi32, #tpu.memory_space<vmem>> -> memref<128xi32, #tpu.memory_space<vmem>>
    %dma_start3A_76 = arith.constant 0 : i32
    %dma_start3A_77 = tpu.memref_slice %arg8[%dma_start3A_76] : memref<524416xi32, #tpu.memory_space<vmem_shared>> -> memref<524416xi32, #tpu.memory_space<vmem_shared>>
    tpu.enqueue_indirect_dma source(%dma_start3A_72 : memref<128xi32, #tpu.memory_space<vmem>>) target(%dma_start3A_77 : memref<524416xi32, #tpu.memory_space<vmem_shared>>) offsets(%dma_start3A_75 : memref<128xi32, #tpu.memory_space<vmem>>) semaphore(%arg9 : memref<!tpu.dma_semaphore, #tpu.memory_space<semaphore_mem>>) {add = true}
    %dma_start3A_78 = arith.constant 3 : i32
    %dma_start3A_79 = arith.constant 3 : i32
    %dma_start3A_80 = arith.constant 0 : i32
    %dma_start3A_81 = tpu.memref_slice %arg6[%dma_start3A_78, %dma_start3A_80] : memref<32x128xi32, #tpu.memory_space<vmem>> -> memref<1x128xi32, #tpu.memory_space<vmem>>
    %dma_start3A_82 = tpu.memref_squeeze %dma_start3A_81 : memref<1x128xi32, #tpu.memory_space<vmem>> -> memref<128xi32, #tpu.memory_space<vmem>>
    %dma_start3A_83 = arith.constant 0 : i32
    %dma_start3A_84 = tpu.memref_slice %arg5[%dma_start3A_79, %dma_start3A_83] : memref<32x128xi32, #tpu.memory_space<vmem>> -> memref<1x128xi32, #tpu.memory_space<vmem>>
    %dma_start3A_85 = tpu.memref_squeeze %dma_start3A_84 : memref<1x128xi32, #tpu.memory_space<vmem>> -> memref<128xi32, #tpu.memory_space<vmem>>
    %dma_start3A_86 = arith.constant 0 : i32
    %dma_start3A_87 = tpu.memref_slice %arg8[%dma_start3A_86] : memref<524416xi32, #tpu.memory_space<vmem_shared>> -> memref<524416xi32, #tpu.memory_space<vmem_shared>>
    tpu.enqueue_indirect_dma source(%dma_start3A_82 : memref<128xi32, #tpu.memory_space<vmem>>) target(%dma_start3A_87 : memref<524416xi32, #tpu.memory_space<vmem_shared>>) offsets(%dma_start3A_85 : memref<128xi32, #tpu.memory_space<vmem>>) semaphore(%arg9 : memref<!tpu.dma_semaphore, #tpu.memory_space<semaphore_mem>>) {add = true}
    %dma_start3A_88 = arith.constant 4 : i32
    %dma_start3A_89 = arith.constant 4 : i32
    %dma_start3A_90 = arith.constant 0 : i32
    %dma_start3A_91 = tpu.memref_slice %arg6[%dma_start3A_88, %dma_start3A_90] : memref<32x128xi32, #tpu.memory_space<vmem>> -> memref<1x128xi32, #tpu.memory_space<vmem>>
    %dma_start3A_92 = tpu.memref_squeeze %dma_start3A_91 : memref<1x128xi32, #tpu.memory_space<vmem>> -> memref<128xi32, #tpu.memory_space<vmem>>
    %dma_start3A_93 = arith.constant 0 : i32
    %dma_start3A_94 = tpu.memref_slice %arg5[%dma_start3A_89, %dma_start3A_93] : memref<32x128xi32, #tpu.memory_space<vmem>> -> memref<1x128xi32, #tpu.memory_space<vmem>>
    %dma_start3A_95 = tpu.memref_squeeze %dma_start3A_94 : memref<1x128xi32, #tpu.memory_space<vmem>> -> memref<128xi32, #tpu.memory_space<vmem>>
    %dma_start3A_96 = arith.constant 0 : i32
    %dma_start3A_97 = tpu.memref_slice %arg8[%dma_start3A_96] : memref<524416xi32, #tpu.memory_space<vmem_shared>> -> memref<524416xi32, #tpu.memory_space<vmem_shared>>
    tpu.enqueue_indirect_dma source(%dma_start3A_92 : memref<128xi32, #tpu.memory_space<vmem>>) target(%dma_start3A_97 : memref<524416xi32, #tpu.memory_space<vmem_shared>>) offsets(%dma_start3A_95 : memref<128xi32, #tpu.memory_space<vmem>>) semaphore(%arg9 : memref<!tpu.dma_semaphore, #tpu.memory_space<semaphore_mem>>) {add = true}
    %dma_start3A_98 = arith.constant 5 : i32
    %dma_start3A_99 = arith.constant 5 : i32
    %dma_start3A_100 = arith.constant 0 : i32
    %dma_start3A_101 = tpu.memref_slice %arg6[%dma_start3A_98, %dma_start3A_100] : memref<32x128xi32, #tpu.memory_space<vmem>> -> memref<1x128xi32, #tpu.memory_space<vmem>>
    %dma_start3A_102 = tpu.memref_squeeze %dma_start3A_101 : memref<1x128xi32, #tpu.memory_space<vmem>> -> memref<128xi32, #tpu.memory_space<vmem>>
    %dma_start3A_103 = arith.constant 0 : i32
    %dma_start3A_104 = tpu.memref_slice %arg5[%dma_start3A_99, %dma_start3A_103] : memref<32x128xi32, #tpu.memory_space<vmem>> -> memref<1x128xi32, #tpu.memory_space<vmem>>
    %dma_start3A_105 = tpu.memref_squeeze %dma_start3A_104 : memref<1x128xi32, #tpu.memory_space<vmem>> -> memref<128xi32, #tpu.memory_space<vmem>>
    %dma_start3A_106 = arith.constant 0 : i32
    %dma_start3A_107 = tpu.memref_slice %arg8[%dma_start3A_106] : memref<524416xi32, #tpu.memory_space<vmem_shared>> -> memref<524416xi32, #tpu.memory_space<vmem_shared>>
    tpu.enqueue_indirect_dma source(%dma_start3A_102 : memref<128xi32, #tpu.memory_space<vmem>>) target(%dma_start3A_107 : memref<524416xi32, #tpu.memory_space<vmem_shared>>) offsets(%dma_start3A_105 : memref<128xi32, #tpu.memory_space<vmem>>) semaphore(%arg9 : memref<!tpu.dma_semaphore, #tpu.memory_space<semaphore_mem>>) {add = true}
    %dma_start3A_108 = arith.constant 6 : i32
    %dma_start3A_109 = arith.constant 6 : i32
    %dma_start3A_110 = arith.constant 0 : i32
    %dma_start3A_111 = tpu.memref_slice %arg6[%dma_start3A_108, %dma_start3A_110] : memref<32x128xi32, #tpu.memory_space<vmem>> -> memref<1x128xi32, #tpu.memory_space<vmem>>
    %dma_start3A_112 = tpu.memref_squeeze %dma_start3A_111 : memref<1x128xi32, #tpu.memory_space<vmem>> -> memref<128xi32, #tpu.memory_space<vmem>>
    %dma_start3A_113 = arith.constant 0 : i32
    %dma_start3A_114 = tpu.memref_slice %arg5[%dma_start3A_109, %dma_start3A_113] : memref<32x128xi32, #tpu.memory_space<vmem>> -> memref<1x128xi32, #tpu.memory_space<vmem>>
    %dma_start3A_115 = tpu.memref_squeeze %dma_start3A_114 : memref<1x128xi32, #tpu.memory_space<vmem>> -> memref<128xi32, #tpu.memory_space<vmem>>
    %dma_start3A_116 = arith.constant 0 : i32
    %dma_start3A_117 = tpu.memref_slice %arg8[%dma_start3A_116] : memref<524416xi32, #tpu.memory_space<vmem_shared>> -> memref<524416xi32, #tpu.memory_space<vmem_shared>>
    tpu.enqueue_indirect_dma source(%dma_start3A_112 : memref<128xi32, #tpu.memory_space<vmem>>) target(%dma_start3A_117 : memref<524416xi32, #tpu.memory_space<vmem_shared>>) offsets(%dma_start3A_115 : memref<128xi32, #tpu.memory_space<vmem>>) semaphore(%arg9 : memref<!tpu.dma_semaphore, #tpu.memory_space<semaphore_mem>>) {add = true}
    %dma_start3A_118 = arith.constant 7 : i32
    %dma_start3A_119 = arith.constant 7 : i32
    %dma_start3A_120 = arith.constant 0 : i32
    %dma_start3A_121 = tpu.memref_slice %arg6[%dma_start3A_118, %dma_start3A_120] : memref<32x128xi32, #tpu.memory_space<vmem>> -> memref<1x128xi32, #tpu.memory_space<vmem>>
    %dma_start3A_122 = tpu.memref_squeeze %dma_start3A_121 : memref<1x128xi32, #tpu.memory_space<vmem>> -> memref<128xi32, #tpu.memory_space<vmem>>
    %dma_start3A_123 = arith.constant 0 : i32
    %dma_start3A_124 = tpu.memref_slice %arg5[%dma_start3A_119, %dma_start3A_123] : memref<32x128xi32, #tpu.memory_space<vmem>> -> memref<1x128xi32, #tpu.memory_space<vmem>>
    %dma_start3A_125 = tpu.memref_squeeze %dma_start3A_124 : memref<1x128xi32, #tpu.memory_space<vmem>> -> memref<128xi32, #tpu.memory_space<vmem>>
    %dma_start3A_126 = arith.constant 0 : i32
    %dma_start3A_127 = tpu.memref_slice %arg8[%dma_start3A_126] : memref<524416xi32, #tpu.memory_space<vmem_shared>> -> memref<524416xi32, #tpu.memory_space<vmem_shared>>
    tpu.enqueue_indirect_dma source(%dma_start3A_122 : memref<128xi32, #tpu.memory_space<vmem>>) target(%dma_start3A_127 : memref<524416xi32, #tpu.memory_space<vmem_shared>>) offsets(%dma_start3A_125 : memref<128xi32, #tpu.memory_space<vmem>>) semaphore(%arg9 : memref<!tpu.dma_semaphore, #tpu.memory_space<semaphore_mem>>) {add = true}
    %dma_start3A_128 = arith.constant 8 : i32
    %dma_start3A_129 = arith.constant 8 : i32
    %dma_start3A_130 = arith.constant 0 : i32
    %dma_start3A_131 = tpu.memref_slice %arg6[%dma_start3A_128, %dma_start3A_130] : memref<32x128xi32, #tpu.memory_space<vmem>> -> memref<1x128xi32, #tpu.memory_space<vmem>>
    %dma_start3A_132 = tpu.memref_squeeze %dma_start3A_131 : memref<1x128xi32, #tpu.memory_space<vmem>> -> memref<128xi32, #tpu.memory_space<vmem>>
    %dma_start3A_133 = arith.constant 0 : i32
    %dma_start3A_134 = tpu.memref_slice %arg5[%dma_start3A_129, %dma_start3A_133] : memref<32x128xi32, #tpu.memory_space<vmem>> -> memref<1x128xi32, #tpu.memory_space<vmem>>
    %dma_start3A_135 = tpu.memref_squeeze %dma_start3A_134 : memref<1x128xi32, #tpu.memory_space<vmem>> -> memref<128xi32, #tpu.memory_space<vmem>>
    %dma_start3A_136 = arith.constant 0 : i32
    %dma_start3A_137 = tpu.memref_slice %arg8[%dma_start3A_136] : memref<524416xi32, #tpu.memory_space<vmem_shared>> -> memref<524416xi32, #tpu.memory_space<vmem_shared>>
    tpu.enqueue_indirect_dma source(%dma_start3A_132 : memref<128xi32, #tpu.memory_space<vmem>>) target(%dma_start3A_137 : memref<524416xi32, #tpu.memory_space<vmem_shared>>) offsets(%dma_start3A_135 : memref<128xi32, #tpu.memory_space<vmem>>) semaphore(%arg9 : memref<!tpu.dma_semaphore, #tpu.memory_space<semaphore_mem>>) {add = true}
    %dma_start3A_138 = arith.constant 9 : i32
    %dma_start3A_139 = arith.constant 9 : i32
    %dma_start3A_140 = arith.constant 0 : i32
    %dma_start3A_141 = tpu.memref_slice %arg6[%dma_start3A_138, %dma_start3A_140] : memref<32x128xi32, #tpu.memory_space<vmem>> -> memref<1x128xi32, #tpu.memory_space<vmem>>
    %dma_start3A_142 = tpu.memref_squeeze %dma_start3A_141 : memref<1x128xi32, #tpu.memory_space<vmem>> -> memref<128xi32, #tpu.memory_space<vmem>>
    %dma_start3A_143 = arith.constant 0 : i32
    %dma_start3A_144 = tpu.memref_slice %arg5[%dma_start3A_139, %dma_start3A_143] : memref<32x128xi32, #tpu.memory_space<vmem>> -> memref<1x128xi32, #tpu.memory_space<vmem>>
    %dma_start3A_145 = tpu.memref_squeeze %dma_start3A_144 : memref<1x128xi32, #tpu.memory_space<vmem>> -> memref<128xi32, #tpu.memory_space<vmem>>
    %dma_start3A_146 = arith.constant 0 : i32
    %dma_start3A_147 = tpu.memref_slice %arg8[%dma_start3A_146] : memref<524416xi32, #tpu.memory_space<vmem_shared>> -> memref<524416xi32, #tpu.memory_space<vmem_shared>>
    tpu.enqueue_indirect_dma source(%dma_start3A_142 : memref<128xi32, #tpu.memory_space<vmem>>) target(%dma_start3A_147 : memref<524416xi32, #tpu.memory_space<vmem_shared>>) offsets(%dma_start3A_145 : memref<128xi32, #tpu.memory_space<vmem>>) semaphore(%arg9 : memref<!tpu.dma_semaphore, #tpu.memory_space<semaphore_mem>>) {add = true}
    %dma_start3A_148 = arith.constant 10 : i32
    %dma_start3A_149 = arith.constant 10 : i32
    %dma_start3A_150 = arith.constant 0 : i32
    %dma_start3A_151 = tpu.memref_slice %arg6[%dma_start3A_148, %dma_start3A_150] : memref<32x128xi32, #tpu.memory_space<vmem>> -> memref<1x128xi32, #tpu.memory_space<vmem>>
    %dma_start3A_152 = tpu.memref_squeeze %dma_start3A_151 : memref<1x128xi32, #tpu.memory_space<vmem>> -> memref<128xi32, #tpu.memory_space<vmem>>
    %dma_start3A_153 = arith.constant 0 : i32
    %dma_start3A_154 = tpu.memref_slice %arg5[%dma_start3A_149, %dma_start3A_153] : memref<32x128xi32, #tpu.memory_space<vmem>> -> memref<1x128xi32, #tpu.memory_space<vmem>>
    %dma_start3A_155 = tpu.memref_squeeze %dma_start3A_154 : memref<1x128xi32, #tpu.memory_space<vmem>> -> memref<128xi32, #tpu.memory_space<vmem>>
    %dma_start3A_156 = arith.constant 0 : i32
    %dma_start3A_157 = tpu.memref_slice %arg8[%dma_start3A_156] : memref<524416xi32, #tpu.memory_space<vmem_shared>> -> memref<524416xi32, #tpu.memory_space<vmem_shared>>
    tpu.enqueue_indirect_dma source(%dma_start3A_152 : memref<128xi32, #tpu.memory_space<vmem>>) target(%dma_start3A_157 : memref<524416xi32, #tpu.memory_space<vmem_shared>>) offsets(%dma_start3A_155 : memref<128xi32, #tpu.memory_space<vmem>>) semaphore(%arg9 : memref<!tpu.dma_semaphore, #tpu.memory_space<semaphore_mem>>) {add = true}
    %dma_start3A_158 = arith.constant 11 : i32
    %dma_start3A_159 = arith.constant 11 : i32
    %dma_start3A_160 = arith.constant 0 : i32
    %dma_start3A_161 = tpu.memref_slice %arg6[%dma_start3A_158, %dma_start3A_160] : memref<32x128xi32, #tpu.memory_space<vmem>> -> memref<1x128xi32, #tpu.memory_space<vmem>>
    %dma_start3A_162 = tpu.memref_squeeze %dma_start3A_161 : memref<1x128xi32, #tpu.memory_space<vmem>> -> memref<128xi32, #tpu.memory_space<vmem>>
    %dma_start3A_163 = arith.constant 0 : i32
    %dma_start3A_164 = tpu.memref_slice %arg5[%dma_start3A_159, %dma_start3A_163] : memref<32x128xi32, #tpu.memory_space<vmem>> -> memref<1x128xi32, #tpu.memory_space<vmem>>
    %dma_start3A_165 = tpu.memref_squeeze %dma_start3A_164 : memref<1x128xi32, #tpu.memory_space<vmem>> -> memref<128xi32, #tpu.memory_space<vmem>>
    %dma_start3A_166 = arith.constant 0 : i32
    %dma_start3A_167 = tpu.memref_slice %arg8[%dma_start3A_166] : memref<524416xi32, #tpu.memory_space<vmem_shared>> -> memref<524416xi32, #tpu.memory_space<vmem_shared>>
    tpu.enqueue_indirect_dma source(%dma_start3A_162 : memref<128xi32, #tpu.memory_space<vmem>>) target(%dma_start3A_167 : memref<524416xi32, #tpu.memory_space<vmem_shared>>) offsets(%dma_start3A_165 : memref<128xi32, #tpu.memory_space<vmem>>) semaphore(%arg9 : memref<!tpu.dma_semaphore, #tpu.memory_space<semaphore_mem>>) {add = true}
    %dma_start3A_168 = arith.constant 12 : i32
    %dma_start3A_169 = arith.constant 12 : i32
    %dma_start3A_170 = arith.constant 0 : i32
    %dma_start3A_171 = tpu.memref_slice %arg6[%dma_start3A_168, %dma_start3A_170] : memref<32x128xi32, #tpu.memory_space<vmem>> -> memref<1x128xi32, #tpu.memory_space<vmem>>
    %dma_start3A_172 = tpu.memref_squeeze %dma_start3A_171 : memref<1x128xi32, #tpu.memory_space<vmem>> -> memref<128xi32, #tpu.memory_space<vmem>>
    %dma_start3A_173 = arith.constant 0 : i32
    %dma_start3A_174 = tpu.memref_slice %arg5[%dma_start3A_169, %dma_start3A_173] : memref<32x128xi32, #tpu.memory_space<vmem>> -> memref<1x128xi32, #tpu.memory_space<vmem>>
    %dma_start3A_175 = tpu.memref_squeeze %dma_start3A_174 : memref<1x128xi32, #tpu.memory_space<vmem>> -> memref<128xi32, #tpu.memory_space<vmem>>
    %dma_start3A_176 = arith.constant 0 : i32
    %dma_start3A_177 = tpu.memref_slice %arg8[%dma_start3A_176] : memref<524416xi32, #tpu.memory_space<vmem_shared>> -> memref<524416xi32, #tpu.memory_space<vmem_shared>>
    tpu.enqueue_indirect_dma source(%dma_start3A_172 : memref<128xi32, #tpu.memory_space<vmem>>) target(%dma_start3A_177 : memref<524416xi32, #tpu.memory_space<vmem_shared>>) offsets(%dma_start3A_175 : memref<128xi32, #tpu.memory_space<vmem>>) semaphore(%arg9 : memref<!tpu.dma_semaphore, #tpu.memory_space<semaphore_mem>>) {add = true}
    %dma_start3A_178 = arith.constant 13 : i32
    %dma_start3A_179 = arith.constant 13 : i32
    %dma_start3A_180 = arith.constant 0 : i32
    %dma_start3A_181 = tpu.memref_slice %arg6[%dma_start3A_178, %dma_start3A_180] : memref<32x128xi32, #tpu.memory_space<vmem>> -> memref<1x128xi32, #tpu.memory_space<vmem>>
    %dma_start3A_182 = tpu.memref_squeeze %dma_start3A_181 : memref<1x128xi32, #tpu.memory_space<vmem>> -> memref<128xi32, #tpu.memory_space<vmem>>
    %dma_start3A_183 = arith.constant 0 : i32
    %dma_start3A_184 = tpu.memref_slice %arg5[%dma_start3A_179, %dma_start3A_183] : memref<32x128xi32, #tpu.memory_space<vmem>> -> memref<1x128xi32, #tpu.memory_space<vmem>>
    %dma_start3A_185 = tpu.memref_squeeze %dma_start3A_184 : memref<1x128xi32, #tpu.memory_space<vmem>> -> memref<128xi32, #tpu.memory_space<vmem>>
    %dma_start3A_186 = arith.constant 0 : i32
    %dma_start3A_187 = tpu.memref_slice %arg8[%dma_start3A_186] : memref<524416xi32, #tpu.memory_space<vmem_shared>> -> memref<524416xi32, #tpu.memory_space<vmem_shared>>
    tpu.enqueue_indirect_dma source(%dma_start3A_182 : memref<128xi32, #tpu.memory_space<vmem>>) target(%dma_start3A_187 : memref<524416xi32, #tpu.memory_space<vmem_shared>>) offsets(%dma_start3A_185 : memref<128xi32, #tpu.memory_space<vmem>>) semaphore(%arg9 : memref<!tpu.dma_semaphore, #tpu.memory_space<semaphore_mem>>) {add = true}
    %dma_start3A_188 = arith.constant 14 : i32
    %dma_start3A_189 = arith.constant 14 : i32
    %dma_start3A_190 = arith.constant 0 : i32
    %dma_start3A_191 = tpu.memref_slice %arg6[%dma_start3A_188, %dma_start3A_190] : memref<32x128xi32, #tpu.memory_space<vmem>> -> memref<1x128xi32, #tpu.memory_space<vmem>>
    %dma_start3A_192 = tpu.memref_squeeze %dma_start3A_191 : memref<1x128xi32, #tpu.memory_space<vmem>> -> memref<128xi32, #tpu.memory_space<vmem>>
    %dma_start3A_193 = arith.constant 0 : i32
    %dma_start3A_194 = tpu.memref_slice %arg5[%dma_start3A_189, %dma_start3A_193] : memref<32x128xi32, #tpu.memory_space<vmem>> -> memref<1x128xi32, #tpu.memory_space<vmem>>
    %dma_start3A_195 = tpu.memref_squeeze %dma_start3A_194 : memref<1x128xi32, #tpu.memory_space<vmem>> -> memref<128xi32, #tpu.memory_space<vmem>>
    %dma_start3A_196 = arith.constant 0 : i32
    %dma_start3A_197 = tpu.memref_slice %arg8[%dma_start3A_196] : memref<524416xi32, #tpu.memory_space<vmem_shared>> -> memref<524416xi32, #tpu.memory_space<vmem_shared>>
    tpu.enqueue_indirect_dma source(%dma_start3A_192 : memref<128xi32, #tpu.memory_space<vmem>>) target(%dma_start3A_197 : memref<524416xi32, #tpu.memory_space<vmem_shared>>) offsets(%dma_start3A_195 : memref<128xi32, #tpu.memory_space<vmem>>) semaphore(%arg9 : memref<!tpu.dma_semaphore, #tpu.memory_space<semaphore_mem>>) {add = true}
    %dma_start3A_198 = arith.constant 15 : i32
    %dma_start3A_199 = arith.constant 15 : i32
    %dma_start3A_200 = arith.constant 0 : i32
    %dma_start3A_201 = tpu.memref_slice %arg6[%dma_start3A_198, %dma_start3A_200] : memref<32x128xi32, #tpu.memory_space<vmem>> -> memref<1x128xi32, #tpu.memory_space<vmem>>
    %dma_start3A_202 = tpu.memref_squeeze %dma_start3A_201 : memref<1x128xi32, #tpu.memory_space<vmem>> -> memref<128xi32, #tpu.memory_space<vmem>>
    %dma_start3A_203 = arith.constant 0 : i32
    %dma_start3A_204 = tpu.memref_slice %arg5[%dma_start3A_199, %dma_start3A_203] : memref<32x128xi32, #tpu.memory_space<vmem>> -> memref<1x128xi32, #tpu.memory_space<vmem>>
    %dma_start3A_205 = tpu.memref_squeeze %dma_start3A_204 : memref<1x128xi32, #tpu.memory_space<vmem>> -> memref<128xi32, #tpu.memory_space<vmem>>
    %dma_start3A_206 = arith.constant 0 : i32
    %dma_start3A_207 = tpu.memref_slice %arg8[%dma_start3A_206] : memref<524416xi32, #tpu.memory_space<vmem_shared>> -> memref<524416xi32, #tpu.memory_space<vmem_shared>>
    tpu.enqueue_indirect_dma source(%dma_start3A_202 : memref<128xi32, #tpu.memory_space<vmem>>) target(%dma_start3A_207 : memref<524416xi32, #tpu.memory_space<vmem_shared>>) offsets(%dma_start3A_205 : memref<128xi32, #tpu.memory_space<vmem>>) semaphore(%arg9 : memref<!tpu.dma_semaphore, #tpu.memory_space<semaphore_mem>>) {add = true}
    %dma_start3A_208 = arith.constant 16 : i32
    %dma_start3A_209 = arith.constant 16 : i32
    %dma_start3A_210 = arith.constant 0 : i32
    %dma_start3A_211 = tpu.memref_slice %arg6[%dma_start3A_208, %dma_start3A_210] : memref<32x128xi32, #tpu.memory_space<vmem>> -> memref<1x128xi32, #tpu.memory_space<vmem>>
    %dma_start3A_212 = tpu.memref_squeeze %dma_start3A_211 : memref<1x128xi32, #tpu.memory_space<vmem>> -> memref<128xi32, #tpu.memory_space<vmem>>
    %dma_start3A_213 = arith.constant 0 : i32
    %dma_start3A_214 = tpu.memref_slice %arg5[%dma_start3A_209, %dma_start3A_213] : memref<32x128xi32, #tpu.memory_space<vmem>> -> memref<1x128xi32, #tpu.memory_space<vmem>>
    %dma_start3A_215 = tpu.memref_squeeze %dma_start3A_214 : memref<1x128xi32, #tpu.memory_space<vmem>> -> memref<128xi32, #tpu.memory_space<vmem>>
    %dma_start3A_216 = arith.constant 0 : i32
    %dma_start3A_217 = tpu.memref_slice %arg8[%dma_start3A_216] : memref<524416xi32, #tpu.memory_space<vmem_shared>> -> memref<524416xi32, #tpu.memory_space<vmem_shared>>
    tpu.enqueue_indirect_dma source(%dma_start3A_212 : memref<128xi32, #tpu.memory_space<vmem>>) target(%dma_start3A_217 : memref<524416xi32, #tpu.memory_space<vmem_shared>>) offsets(%dma_start3A_215 : memref<128xi32, #tpu.memory_space<vmem>>) semaphore(%arg9 : memref<!tpu.dma_semaphore, #tpu.memory_space<semaphore_mem>>) {add = true}
    %dma_start3A_218 = arith.constant 17 : i32
    %dma_start3A_219 = arith.constant 17 : i32
    %dma_start3A_220 = arith.constant 0 : i32
    %dma_start3A_221 = tpu.memref_slice %arg6[%dma_start3A_218, %dma_start3A_220] : memref<32x128xi32, #tpu.memory_space<vmem>> -> memref<1x128xi32, #tpu.memory_space<vmem>>
    %dma_start3A_222 = tpu.memref_squeeze %dma_start3A_221 : memref<1x128xi32, #tpu.memory_space<vmem>> -> memref<128xi32, #tpu.memory_space<vmem>>
    %dma_start3A_223 = arith.constant 0 : i32
    %dma_start3A_224 = tpu.memref_slice %arg5[%dma_start3A_219, %dma_start3A_223] : memref<32x128xi32, #tpu.memory_space<vmem>> -> memref<1x128xi32, #tpu.memory_space<vmem>>
    %dma_start3A_225 = tpu.memref_squeeze %dma_start3A_224 : memref<1x128xi32, #tpu.memory_space<vmem>> -> memref<128xi32, #tpu.memory_space<vmem>>
    %dma_start3A_226 = arith.constant 0 : i32
    %dma_start3A_227 = tpu.memref_slice %arg8[%dma_start3A_226] : memref<524416xi32, #tpu.memory_space<vmem_shared>> -> memref<524416xi32, #tpu.memory_space<vmem_shared>>
    tpu.enqueue_indirect_dma source(%dma_start3A_222 : memref<128xi32, #tpu.memory_space<vmem>>) target(%dma_start3A_227 : memref<524416xi32, #tpu.memory_space<vmem_shared>>) offsets(%dma_start3A_225 : memref<128xi32, #tpu.memory_space<vmem>>) semaphore(%arg9 : memref<!tpu.dma_semaphore, #tpu.memory_space<semaphore_mem>>) {add = true}
    %dma_start3A_228 = arith.constant 18 : i32
    %dma_start3A_229 = arith.constant 18 : i32
    %dma_start3A_230 = arith.constant 0 : i32
    %dma_start3A_231 = tpu.memref_slice %arg6[%dma_start3A_228, %dma_start3A_230] : memref<32x128xi32, #tpu.memory_space<vmem>> -> memref<1x128xi32, #tpu.memory_space<vmem>>
    %dma_start3A_232 = tpu.memref_squeeze %dma_start3A_231 : memref<1x128xi32, #tpu.memory_space<vmem>> -> memref<128xi32, #tpu.memory_space<vmem>>
    %dma_start3A_233 = arith.constant 0 : i32
    %dma_start3A_234 = tpu.memref_slice %arg5[%dma_start3A_229, %dma_start3A_233] : memref<32x128xi32, #tpu.memory_space<vmem>> -> memref<1x128xi32, #tpu.memory_space<vmem>>
    %dma_start3A_235 = tpu.memref_squeeze %dma_start3A_234 : memref<1x128xi32, #tpu.memory_space<vmem>> -> memref<128xi32, #tpu.memory_space<vmem>>
    %dma_start3A_236 = arith.constant 0 : i32
    %dma_start3A_237 = tpu.memref_slice %arg8[%dma_start3A_236] : memref<524416xi32, #tpu.memory_space<vmem_shared>> -> memref<524416xi32, #tpu.memory_space<vmem_shared>>
    tpu.enqueue_indirect_dma source(%dma_start3A_232 : memref<128xi32, #tpu.memory_space<vmem>>) target(%dma_start3A_237 : memref<524416xi32, #tpu.memory_space<vmem_shared>>) offsets(%dma_start3A_235 : memref<128xi32, #tpu.memory_space<vmem>>) semaphore(%arg9 : memref<!tpu.dma_semaphore, #tpu.memory_space<semaphore_mem>>) {add = true}
    %dma_start3A_238 = arith.constant 19 : i32
    %dma_start3A_239 = arith.constant 19 : i32
    %dma_start3A_240 = arith.constant 0 : i32
    %dma_start3A_241 = tpu.memref_slice %arg6[%dma_start3A_238, %dma_start3A_240] : memref<32x128xi32, #tpu.memory_space<vmem>> -> memref<1x128xi32, #tpu.memory_space<vmem>>
    %dma_start3A_242 = tpu.memref_squeeze %dma_start3A_241 : memref<1x128xi32, #tpu.memory_space<vmem>> -> memref<128xi32, #tpu.memory_space<vmem>>
    %dma_start3A_243 = arith.constant 0 : i32
    %dma_start3A_244 = tpu.memref_slice %arg5[%dma_start3A_239, %dma_start3A_243] : memref<32x128xi32, #tpu.memory_space<vmem>> -> memref<1x128xi32, #tpu.memory_space<vmem>>
    %dma_start3A_245 = tpu.memref_squeeze %dma_start3A_244 : memref<1x128xi32, #tpu.memory_space<vmem>> -> memref<128xi32, #tpu.memory_space<vmem>>
    %dma_start3A_246 = arith.constant 0 : i32
    %dma_start3A_247 = tpu.memref_slice %arg8[%dma_start3A_246] : memref<524416xi32, #tpu.memory_space<vmem_shared>> -> memref<524416xi32, #tpu.memory_space<vmem_shared>>
    tpu.enqueue_indirect_dma source(%dma_start3A_242 : memref<128xi32, #tpu.memory_space<vmem>>) target(%dma_start3A_247 : memref<524416xi32, #tpu.memory_space<vmem_shared>>) offsets(%dma_start3A_245 : memref<128xi32, #tpu.memory_space<vmem>>) semaphore(%arg9 : memref<!tpu.dma_semaphore, #tpu.memory_space<semaphore_mem>>) {add = true}
    %dma_start3A_248 = arith.constant 20 : i32
    %dma_start3A_249 = arith.constant 20 : i32
    %dma_start3A_250 = arith.constant 0 : i32
    %dma_start3A_251 = tpu.memref_slice %arg6[%dma_start3A_248, %dma_start3A_250] : memref<32x128xi32, #tpu.memory_space<vmem>> -> memref<1x128xi32, #tpu.memory_space<vmem>>
    %dma_start3A_252 = tpu.memref_squeeze %dma_start3A_251 : memref<1x128xi32, #tpu.memory_space<vmem>> -> memref<128xi32, #tpu.memory_space<vmem>>
    %dma_start3A_253 = arith.constant 0 : i32
    %dma_start3A_254 = tpu.memref_slice %arg5[%dma_start3A_249, %dma_start3A_253] : memref<32x128xi32, #tpu.memory_space<vmem>> -> memref<1x128xi32, #tpu.memory_space<vmem>>
    %dma_start3A_255 = tpu.memref_squeeze %dma_start3A_254 : memref<1x128xi32, #tpu.memory_space<vmem>> -> memref<128xi32, #tpu.memory_space<vmem>>
    %dma_start3A_256 = arith.constant 0 : i32
    %dma_start3A_257 = tpu.memref_slice %arg8[%dma_start3A_256] : memref<524416xi32, #tpu.memory_space<vmem_shared>> -> memref<524416xi32, #tpu.memory_space<vmem_shared>>
    tpu.enqueue_indirect_dma source(%dma_start3A_252 : memref<128xi32, #tpu.memory_space<vmem>>) target(%dma_start3A_257 : memref<524416xi32, #tpu.memory_space<vmem_shared>>) offsets(%dma_start3A_255 : memref<128xi32, #tpu.memory_space<vmem>>) semaphore(%arg9 : memref<!tpu.dma_semaphore, #tpu.memory_space<semaphore_mem>>) {add = true}
    %dma_start3A_258 = arith.constant 21 : i32
    %dma_start3A_259 = arith.constant 21 : i32
    %dma_start3A_260 = arith.constant 0 : i32
    %dma_start3A_261 = tpu.memref_slice %arg6[%dma_start3A_258, %dma_start3A_260] : memref<32x128xi32, #tpu.memory_space<vmem>> -> memref<1x128xi32, #tpu.memory_space<vmem>>
    %dma_start3A_262 = tpu.memref_squeeze %dma_start3A_261 : memref<1x128xi32, #tpu.memory_space<vmem>> -> memref<128xi32, #tpu.memory_space<vmem>>
    %dma_start3A_263 = arith.constant 0 : i32
    %dma_start3A_264 = tpu.memref_slice %arg5[%dma_start3A_259, %dma_start3A_263] : memref<32x128xi32, #tpu.memory_space<vmem>> -> memref<1x128xi32, #tpu.memory_space<vmem>>
    %dma_start3A_265 = tpu.memref_squeeze %dma_start3A_264 : memref<1x128xi32, #tpu.memory_space<vmem>> -> memref<128xi32, #tpu.memory_space<vmem>>
    %dma_start3A_266 = arith.constant 0 : i32
    %dma_start3A_267 = tpu.memref_slice %arg8[%dma_start3A_266] : memref<524416xi32, #tpu.memory_space<vmem_shared>> -> memref<524416xi32, #tpu.memory_space<vmem_shared>>
    tpu.enqueue_indirect_dma source(%dma_start3A_262 : memref<128xi32, #tpu.memory_space<vmem>>) target(%dma_start3A_267 : memref<524416xi32, #tpu.memory_space<vmem_shared>>) offsets(%dma_start3A_265 : memref<128xi32, #tpu.memory_space<vmem>>) semaphore(%arg9 : memref<!tpu.dma_semaphore, #tpu.memory_space<semaphore_mem>>) {add = true}
    %dma_start3A_268 = arith.constant 22 : i32
    %dma_start3A_269 = arith.constant 22 : i32
    %dma_start3A_270 = arith.constant 0 : i32
    %dma_start3A_271 = tpu.memref_slice %arg6[%dma_start3A_268, %dma_start3A_270] : memref<32x128xi32, #tpu.memory_space<vmem>> -> memref<1x128xi32, #tpu.memory_space<vmem>>
    %dma_start3A_272 = tpu.memref_squeeze %dma_start3A_271 : memref<1x128xi32, #tpu.memory_space<vmem>> -> memref<128xi32, #tpu.memory_space<vmem>>
    %dma_start3A_273 = arith.constant 0 : i32
    %dma_start3A_274 = tpu.memref_slice %arg5[%dma_start3A_269, %dma_start3A_273] : memref<32x128xi32, #tpu.memory_space<vmem>> -> memref<1x128xi32, #tpu.memory_space<vmem>>
    %dma_start3A_275 = tpu.memref_squeeze %dma_start3A_274 : memref<1x128xi32, #tpu.memory_space<vmem>> -> memref<128xi32, #tpu.memory_space<vmem>>
    %dma_start3A_276 = arith.constant 0 : i32
    %dma_start3A_277 = tpu.memref_slice %arg8[%dma_start3A_276] : memref<524416xi32, #tpu.memory_space<vmem_shared>> -> memref<524416xi32, #tpu.memory_space<vmem_shared>>
    tpu.enqueue_indirect_dma source(%dma_start3A_272 : memref<128xi32, #tpu.memory_space<vmem>>) target(%dma_start3A_277 : memref<524416xi32, #tpu.memory_space<vmem_shared>>) offsets(%dma_start3A_275 : memref<128xi32, #tpu.memory_space<vmem>>) semaphore(%arg9 : memref<!tpu.dma_semaphore, #tpu.memory_space<semaphore_mem>>) {add = true}
    %dma_start3A_278 = arith.constant 23 : i32
    %dma_start3A_279 = arith.constant 23 : i32
    %dma_start3A_280 = arith.constant 0 : i32
    %dma_start3A_281 = tpu.memref_slice %arg6[%dma_start3A_278, %dma_start3A_280] : memref<32x128xi32, #tpu.memory_space<vmem>> -> memref<1x128xi32, #tpu.memory_space<vmem>>
    %dma_start3A_282 = tpu.memref_squeeze %dma_start3A_281 : memref<1x128xi32, #tpu.memory_space<vmem>> -> memref<128xi32, #tpu.memory_space<vmem>>
    %dma_start3A_283 = arith.constant 0 : i32
    %dma_start3A_284 = tpu.memref_slice %arg5[%dma_start3A_279, %dma_start3A_283] : memref<32x128xi32, #tpu.memory_space<vmem>> -> memref<1x128xi32, #tpu.memory_space<vmem>>
    %dma_start3A_285 = tpu.memref_squeeze %dma_start3A_284 : memref<1x128xi32, #tpu.memory_space<vmem>> -> memref<128xi32, #tpu.memory_space<vmem>>
    %dma_start3A_286 = arith.constant 0 : i32
    %dma_start3A_287 = tpu.memref_slice %arg8[%dma_start3A_286] : memref<524416xi32, #tpu.memory_space<vmem_shared>> -> memref<524416xi32, #tpu.memory_space<vmem_shared>>
    tpu.enqueue_indirect_dma source(%dma_start3A_282 : memref<128xi32, #tpu.memory_space<vmem>>) target(%dma_start3A_287 : memref<524416xi32, #tpu.memory_space<vmem_shared>>) offsets(%dma_start3A_285 : memref<128xi32, #tpu.memory_space<vmem>>) semaphore(%arg9 : memref<!tpu.dma_semaphore, #tpu.memory_space<semaphore_mem>>) {add = true}
    %dma_start3A_288 = arith.constant 24 : i32
    %dma_start3A_289 = arith.constant 24 : i32
    %dma_start3A_290 = arith.constant 0 : i32
    %dma_start3A_291 = tpu.memref_slice %arg6[%dma_start3A_288, %dma_start3A_290] : memref<32x128xi32, #tpu.memory_space<vmem>> -> memref<1x128xi32, #tpu.memory_space<vmem>>
    %dma_start3A_292 = tpu.memref_squeeze %dma_start3A_291 : memref<1x128xi32, #tpu.memory_space<vmem>> -> memref<128xi32, #tpu.memory_space<vmem>>
    %dma_start3A_293 = arith.constant 0 : i32
    %dma_start3A_294 = tpu.memref_slice %arg5[%dma_start3A_289, %dma_start3A_293] : memref<32x128xi32, #tpu.memory_space<vmem>> -> memref<1x128xi32, #tpu.memory_space<vmem>>
    %dma_start3A_295 = tpu.memref_squeeze %dma_start3A_294 : memref<1x128xi32, #tpu.memory_space<vmem>> -> memref<128xi32, #tpu.memory_space<vmem>>
    %dma_start3A_296 = arith.constant 0 : i32
    %dma_start3A_297 = tpu.memref_slice %arg8[%dma_start3A_296] : memref<524416xi32, #tpu.memory_space<vmem_shared>> -> memref<524416xi32, #tpu.memory_space<vmem_shared>>
    tpu.enqueue_indirect_dma source(%dma_start3A_292 : memref<128xi32, #tpu.memory_space<vmem>>) target(%dma_start3A_297 : memref<524416xi32, #tpu.memory_space<vmem_shared>>) offsets(%dma_start3A_295 : memref<128xi32, #tpu.memory_space<vmem>>) semaphore(%arg9 : memref<!tpu.dma_semaphore, #tpu.memory_space<semaphore_mem>>) {add = true}
    %dma_start3A_298 = arith.constant 25 : i32
    %dma_start3A_299 = arith.constant 25 : i32
    %dma_start3A_300 = arith.constant 0 : i32
    %dma_start3A_301 = tpu.memref_slice %arg6[%dma_start3A_298, %dma_start3A_300] : memref<32x128xi32, #tpu.memory_space<vmem>> -> memref<1x128xi32, #tpu.memory_space<vmem>>
    %dma_start3A_302 = tpu.memref_squeeze %dma_start3A_301 : memref<1x128xi32, #tpu.memory_space<vmem>> -> memref<128xi32, #tpu.memory_space<vmem>>
    %dma_start3A_303 = arith.constant 0 : i32
    %dma_start3A_304 = tpu.memref_slice %arg5[%dma_start3A_299, %dma_start3A_303] : memref<32x128xi32, #tpu.memory_space<vmem>> -> memref<1x128xi32, #tpu.memory_space<vmem>>
    %dma_start3A_305 = tpu.memref_squeeze %dma_start3A_304 : memref<1x128xi32, #tpu.memory_space<vmem>> -> memref<128xi32, #tpu.memory_space<vmem>>
    %dma_start3A_306 = arith.constant 0 : i32
    %dma_start3A_307 = tpu.memref_slice %arg8[%dma_start3A_306] : memref<524416xi32, #tpu.memory_space<vmem_shared>> -> memref<524416xi32, #tpu.memory_space<vmem_shared>>
    tpu.enqueue_indirect_dma source(%dma_start3A_302 : memref<128xi32, #tpu.memory_space<vmem>>) target(%dma_start3A_307 : memref<524416xi32, #tpu.memory_space<vmem_shared>>) offsets(%dma_start3A_305 : memref<128xi32, #tpu.memory_space<vmem>>) semaphore(%arg9 : memref<!tpu.dma_semaphore, #tpu.memory_space<semaphore_mem>>) {add = true}
    %dma_start3A_308 = arith.constant 26 : i32
    %dma_start3A_309 = arith.constant 26 : i32
    %dma_start3A_310 = arith.constant 0 : i32
    %dma_start3A_311 = tpu.memref_slice %arg6[%dma_start3A_308, %dma_start3A_310] : memref<32x128xi32, #tpu.memory_space<vmem>> -> memref<1x128xi32, #tpu.memory_space<vmem>>
    %dma_start3A_312 = tpu.memref_squeeze %dma_start3A_311 : memref<1x128xi32, #tpu.memory_space<vmem>> -> memref<128xi32, #tpu.memory_space<vmem>>
    %dma_start3A_313 = arith.constant 0 : i32
    %dma_start3A_314 = tpu.memref_slice %arg5[%dma_start3A_309, %dma_start3A_313] : memref<32x128xi32, #tpu.memory_space<vmem>> -> memref<1x128xi32, #tpu.memory_space<vmem>>
    %dma_start3A_315 = tpu.memref_squeeze %dma_start3A_314 : memref<1x128xi32, #tpu.memory_space<vmem>> -> memref<128xi32, #tpu.memory_space<vmem>>
    %dma_start3A_316 = arith.constant 0 : i32
    %dma_start3A_317 = tpu.memref_slice %arg8[%dma_start3A_316] : memref<524416xi32, #tpu.memory_space<vmem_shared>> -> memref<524416xi32, #tpu.memory_space<vmem_shared>>
    tpu.enqueue_indirect_dma source(%dma_start3A_312 : memref<128xi32, #tpu.memory_space<vmem>>) target(%dma_start3A_317 : memref<524416xi32, #tpu.memory_space<vmem_shared>>) offsets(%dma_start3A_315 : memref<128xi32, #tpu.memory_space<vmem>>) semaphore(%arg9 : memref<!tpu.dma_semaphore, #tpu.memory_space<semaphore_mem>>) {add = true}
    %dma_start3A_318 = arith.constant 27 : i32
    %dma_start3A_319 = arith.constant 27 : i32
    %dma_start3A_320 = arith.constant 0 : i32
    %dma_start3A_321 = tpu.memref_slice %arg6[%dma_start3A_318, %dma_start3A_320] : memref<32x128xi32, #tpu.memory_space<vmem>> -> memref<1x128xi32, #tpu.memory_space<vmem>>
    %dma_start3A_322 = tpu.memref_squeeze %dma_start3A_321 : memref<1x128xi32, #tpu.memory_space<vmem>> -> memref<128xi32, #tpu.memory_space<vmem>>
    %dma_start3A_323 = arith.constant 0 : i32
    %dma_start3A_324 = tpu.memref_slice %arg5[%dma_start3A_319, %dma_start3A_323] : memref<32x128xi32, #tpu.memory_space<vmem>> -> memref<1x128xi32, #tpu.memory_space<vmem>>
    %dma_start3A_325 = tpu.memref_squeeze %dma_start3A_324 : memref<1x128xi32, #tpu.memory_space<vmem>> -> memref<128xi32, #tpu.memory_space<vmem>>
    %dma_start3A_326 = arith.constant 0 : i32
    %dma_start3A_327 = tpu.memref_slice %arg8[%dma_start3A_326] : memref<524416xi32, #tpu.memory_space<vmem_shared>> -> memref<524416xi32, #tpu.memory_space<vmem_shared>>
    tpu.enqueue_indirect_dma source(%dma_start3A_322 : memref<128xi32, #tpu.memory_space<vmem>>) target(%dma_start3A_327 : memref<524416xi32, #tpu.memory_space<vmem_shared>>) offsets(%dma_start3A_325 : memref<128xi32, #tpu.memory_space<vmem>>) semaphore(%arg9 : memref<!tpu.dma_semaphore, #tpu.memory_space<semaphore_mem>>) {add = true}
    %dma_start3A_328 = arith.constant 28 : i32
    %dma_start3A_329 = arith.constant 28 : i32
    %dma_start3A_330 = arith.constant 0 : i32
    %dma_start3A_331 = tpu.memref_slice %arg6[%dma_start3A_328, %dma_start3A_330] : memref<32x128xi32, #tpu.memory_space<vmem>> -> memref<1x128xi32, #tpu.memory_space<vmem>>
    %dma_start3A_332 = tpu.memref_squeeze %dma_start3A_331 : memref<1x128xi32, #tpu.memory_space<vmem>> -> memref<128xi32, #tpu.memory_space<vmem>>
    %dma_start3A_333 = arith.constant 0 : i32
    %dma_start3A_334 = tpu.memref_slice %arg5[%dma_start3A_329, %dma_start3A_333] : memref<32x128xi32, #tpu.memory_space<vmem>> -> memref<1x128xi32, #tpu.memory_space<vmem>>
    %dma_start3A_335 = tpu.memref_squeeze %dma_start3A_334 : memref<1x128xi32, #tpu.memory_space<vmem>> -> memref<128xi32, #tpu.memory_space<vmem>>
    %dma_start3A_336 = arith.constant 0 : i32
    %dma_start3A_337 = tpu.memref_slice %arg8[%dma_start3A_336] : memref<524416xi32, #tpu.memory_space<vmem_shared>> -> memref<524416xi32, #tpu.memory_space<vmem_shared>>
    tpu.enqueue_indirect_dma source(%dma_start3A_332 : memref<128xi32, #tpu.memory_space<vmem>>) target(%dma_start3A_337 : memref<524416xi32, #tpu.memory_space<vmem_shared>>) offsets(%dma_start3A_335 : memref<128xi32, #tpu.memory_space<vmem>>) semaphore(%arg9 : memref<!tpu.dma_semaphore, #tpu.memory_space<semaphore_mem>>) {add = true}
    %dma_start3A_338 = arith.constant 29 : i32
    %dma_start3A_339 = arith.constant 29 : i32
    %dma_start3A_340 = arith.constant 0 : i32
    %dma_start3A_341 = tpu.memref_slice %arg6[%dma_start3A_338, %dma_start3A_340] : memref<32x128xi32, #tpu.memory_space<vmem>> -> memref<1x128xi32, #tpu.memory_space<vmem>>
    %dma_start3A_342 = tpu.memref_squeeze %dma_start3A_341 : memref<1x128xi32, #tpu.memory_space<vmem>> -> memref<128xi32, #tpu.memory_space<vmem>>
    %dma_start3A_343 = arith.constant 0 : i32
    %dma_start3A_344 = tpu.memref_slice %arg5[%dma_start3A_339, %dma_start3A_343] : memref<32x128xi32, #tpu.memory_space<vmem>> -> memref<1x128xi32, #tpu.memory_space<vmem>>
    %dma_start3A_345 = tpu.memref_squeeze %dma_start3A_344 : memref<1x128xi32, #tpu.memory_space<vmem>> -> memref<128xi32, #tpu.memory_space<vmem>>
    %dma_start3A_346 = arith.constant 0 : i32
    %dma_start3A_347 = tpu.memref_slice %arg8[%dma_start3A_346] : memref<524416xi32, #tpu.memory_space<vmem_shared>> -> memref<524416xi32, #tpu.memory_space<vmem_shared>>
    tpu.enqueue_indirect_dma source(%dma_start3A_342 : memref<128xi32, #tpu.memory_space<vmem>>) target(%dma_start3A_347 : memref<524416xi32, #tpu.memory_space<vmem_shared>>) offsets(%dma_start3A_345 : memref<128xi32, #tpu.memory_space<vmem>>) semaphore(%arg9 : memref<!tpu.dma_semaphore, #tpu.memory_space<semaphore_mem>>) {add = true}
    %dma_start3A_348 = arith.constant 30 : i32
    %dma_start3A_349 = arith.constant 30 : i32
    %dma_start3A_350 = arith.constant 0 : i32
    %dma_start3A_351 = tpu.memref_slice %arg6[%dma_start3A_348, %dma_start3A_350] : memref<32x128xi32, #tpu.memory_space<vmem>> -> memref<1x128xi32, #tpu.memory_space<vmem>>
    %dma_start3A_352 = tpu.memref_squeeze %dma_start3A_351 : memref<1x128xi32, #tpu.memory_space<vmem>> -> memref<128xi32, #tpu.memory_space<vmem>>
    %dma_start3A_353 = arith.constant 0 : i32
    %dma_start3A_354 = tpu.memref_slice %arg5[%dma_start3A_349, %dma_start3A_353] : memref<32x128xi32, #tpu.memory_space<vmem>> -> memref<1x128xi32, #tpu.memory_space<vmem>>
    %dma_start3A_355 = tpu.memref_squeeze %dma_start3A_354 : memref<1x128xi32, #tpu.memory_space<vmem>> -> memref<128xi32, #tpu.memory_space<vmem>>
    %dma_start3A_356 = arith.constant 0 : i32
    %dma_start3A_357 = tpu.memref_slice %arg8[%dma_start3A_356] : memref<524416xi32, #tpu.memory_space<vmem_shared>> -> memref<524416xi32, #tpu.memory_space<vmem_shared>>
    tpu.enqueue_indirect_dma source(%dma_start3A_352 : memref<128xi32, #tpu.memory_space<vmem>>) target(%dma_start3A_357 : memref<524416xi32, #tpu.memory_space<vmem_shared>>) offsets(%dma_start3A_355 : memref<128xi32, #tpu.memory_space<vmem>>) semaphore(%arg9 : memref<!tpu.dma_semaphore, #tpu.memory_space<semaphore_mem>>) {add = true}
    %dma_start3A_358 = arith.constant 31 : i32
    %dma_start3A_359 = arith.constant 31 : i32
    %dma_start3A_360 = arith.constant 0 : i32
    %dma_start3A_361 = tpu.memref_slice %arg6[%dma_start3A_358, %dma_start3A_360] : memref<32x128xi32, #tpu.memory_space<vmem>> -> memref<1x128xi32, #tpu.memory_space<vmem>>
    %dma_start3A_362 = tpu.memref_squeeze %dma_start3A_361 : memref<1x128xi32, #tpu.memory_space<vmem>> -> memref<128xi32, #tpu.memory_space<vmem>>
    %dma_start3A_363 = arith.constant 0 : i32
    %dma_start3A_364 = tpu.memref_slice %arg5[%dma_start3A_359, %dma_start3A_363] : memref<32x128xi32, #tpu.memory_space<vmem>> -> memref<1x128xi32, #tpu.memory_space<vmem>>
    %dma_start3A_365 = tpu.memref_squeeze %dma_start3A_364 : memref<1x128xi32, #tpu.memory_space<vmem>> -> memref<128xi32, #tpu.memory_space<vmem>>
    %dma_start3A_366 = arith.constant 0 : i32
    %dma_start3A_367 = tpu.memref_slice %arg8[%dma_start3A_366] : memref<524416xi32, #tpu.memory_space<vmem_shared>> -> memref<524416xi32, #tpu.memory_space<vmem_shared>>
    tpu.enqueue_indirect_dma source(%dma_start3A_362 : memref<128xi32, #tpu.memory_space<vmem>>) target(%dma_start3A_367 : memref<524416xi32, #tpu.memory_space<vmem_shared>>) offsets(%dma_start3A_365 : memref<128xi32, #tpu.memory_space<vmem>>) semaphore(%arg9 : memref<!tpu.dma_semaphore, #tpu.memory_space<semaphore_mem>>) {add = true}
    %dma_wait3A_368 = arith.constant 0 : i32
    %dma_wait3A_369 = arith.constant 0 : i32
    %dma_wait3A_370 = arith.constant 0 : i32
    %dma_wait3A_371 = tpu.memref_slice %arg6[%dma_wait3A_368, %dma_wait3A_370] : memref<32x128xi32, #tpu.memory_space<vmem>> -> memref<1x128xi32, #tpu.memory_space<vmem>>
    %dma_wait3A_372 = tpu.memref_squeeze %dma_wait3A_371 : memref<1x128xi32, #tpu.memory_space<vmem>> -> memref<128xi32, #tpu.memory_space<vmem>>
    %dma_wait3A_373 = arith.constant 0 : i32
    %dma_wait3A_374 = tpu.memref_slice %arg5[%dma_wait3A_369, %dma_wait3A_373] : memref<32x128xi32, #tpu.memory_space<vmem>> -> memref<1x128xi32, #tpu.memory_space<vmem>>
    %dma_wait3A_375 = tpu.memref_squeeze %dma_wait3A_374 : memref<1x128xi32, #tpu.memory_space<vmem>> -> memref<128xi32, #tpu.memory_space<vmem>>
    %dma_wait3A_376 = arith.constant 0 : i32
    %dma_wait3A_377 = tpu.memref_slice %arg8[%dma_wait3A_376] : memref<524416xi32, #tpu.memory_space<vmem_shared>> -> memref<524416xi32, #tpu.memory_space<vmem_shared>>
    tpu.wait_indirect_dma semaphore(%arg9 : memref<!tpu.dma_semaphore, #tpu.memory_space<semaphore_mem>>) src(%dma_wait3A_372 : memref<128xi32, #tpu.memory_space<vmem>>) dst(%dma_wait3A_377 : memref<524416xi32, #tpu.memory_space<vmem_shared>>)
    %dma_wait3A_378 = arith.constant 1 : i32
    %dma_wait3A_379 = arith.constant 1 : i32
    %dma_wait3A_380 = arith.constant 0 : i32
    %dma_wait3A_381 = tpu.memref_slice %arg6[%dma_wait3A_378, %dma_wait3A_380] : memref<32x128xi32, #tpu.memory_space<vmem>> -> memref<1x128xi32, #tpu.memory_space<vmem>>
    %dma_wait3A_382 = tpu.memref_squeeze %dma_wait3A_381 : memref<1x128xi32, #tpu.memory_space<vmem>> -> memref<128xi32, #tpu.memory_space<vmem>>
    %dma_wait3A_383 = arith.constant 0 : i32
    %dma_wait3A_384 = tpu.memref_slice %arg5[%dma_wait3A_379, %dma_wait3A_383] : memref<32x128xi32, #tpu.memory_space<vmem>> -> memref<1x128xi32, #tpu.memory_space<vmem>>
    %dma_wait3A_385 = tpu.memref_squeeze %dma_wait3A_384 : memref<1x128xi32, #tpu.memory_space<vmem>> -> memref<128xi32, #tpu.memory_space<vmem>>
    %dma_wait3A_386 = arith.constant 0 : i32
    %dma_wait3A_387 = tpu.memref_slice %arg8[%dma_wait3A_386] : memref<524416xi32, #tpu.memory_space<vmem_shared>> -> memref<524416xi32, #tpu.memory_space<vmem_shared>>
    tpu.wait_indirect_dma semaphore(%arg9 : memref<!tpu.dma_semaphore, #tpu.memory_space<semaphore_mem>>) src(%dma_wait3A_382 : memref<128xi32, #tpu.memory_space<vmem>>) dst(%dma_wait3A_387 : memref<524416xi32, #tpu.memory_space<vmem_shared>>)
    %dma_wait3A_388 = arith.constant 2 : i32
    %dma_wait3A_389 = arith.constant 2 : i32
    %dma_wait3A_390 = arith.constant 0 : i32
    %dma_wait3A_391 = tpu.memref_slice %arg6[%dma_wait3A_388, %dma_wait3A_390] : memref<32x128xi32, #tpu.memory_space<vmem>> -> memref<1x128xi32, #tpu.memory_space<vmem>>
    %dma_wait3A_392 = tpu.memref_squeeze %dma_wait3A_391 : memref<1x128xi32, #tpu.memory_space<vmem>> -> memref<128xi32, #tpu.memory_space<vmem>>
    %dma_wait3A_393 = arith.constant 0 : i32
    %dma_wait3A_394 = tpu.memref_slice %arg5[%dma_wait3A_389, %dma_wait3A_393] : memref<32x128xi32, #tpu.memory_space<vmem>> -> memref<1x128xi32, #tpu.memory_space<vmem>>
    %dma_wait3A_395 = tpu.memref_squeeze %dma_wait3A_394 : memref<1x128xi32, #tpu.memory_space<vmem>> -> memref<128xi32, #tpu.memory_space<vmem>>
    %dma_wait3A_396 = arith.constant 0 : i32
    %dma_wait3A_397 = tpu.memref_slice %arg8[%dma_wait3A_396] : memref<524416xi32, #tpu.memory_space<vmem_shared>> -> memref<524416xi32, #tpu.memory_space<vmem_shared>>
    tpu.wait_indirect_dma semaphore(%arg9 : memref<!tpu.dma_semaphore, #tpu.memory_space<semaphore_mem>>) src(%dma_wait3A_392 : memref<128xi32, #tpu.memory_space<vmem>>) dst(%dma_wait3A_397 : memref<524416xi32, #tpu.memory_space<vmem_shared>>)
    %dma_wait3A_398 = arith.constant 3 : i32
    %dma_wait3A_399 = arith.constant 3 : i32
    %dma_wait3A_400 = arith.constant 0 : i32
    %dma_wait3A_401 = tpu.memref_slice %arg6[%dma_wait3A_398, %dma_wait3A_400] : memref<32x128xi32, #tpu.memory_space<vmem>> -> memref<1x128xi32, #tpu.memory_space<vmem>>
    %dma_wait3A_402 = tpu.memref_squeeze %dma_wait3A_401 : memref<1x128xi32, #tpu.memory_space<vmem>> -> memref<128xi32, #tpu.memory_space<vmem>>
    %dma_wait3A_403 = arith.constant 0 : i32
    %dma_wait3A_404 = tpu.memref_slice %arg5[%dma_wait3A_399, %dma_wait3A_403] : memref<32x128xi32, #tpu.memory_space<vmem>> -> memref<1x128xi32, #tpu.memory_space<vmem>>
    %dma_wait3A_405 = tpu.memref_squeeze %dma_wait3A_404 : memref<1x128xi32, #tpu.memory_space<vmem>> -> memref<128xi32, #tpu.memory_space<vmem>>
    %dma_wait3A_406 = arith.constant 0 : i32
    %dma_wait3A_407 = tpu.memref_slice %arg8[%dma_wait3A_406] : memref<524416xi32, #tpu.memory_space<vmem_shared>> -> memref<524416xi32, #tpu.memory_space<vmem_shared>>
    tpu.wait_indirect_dma semaphore(%arg9 : memref<!tpu.dma_semaphore, #tpu.memory_space<semaphore_mem>>) src(%dma_wait3A_402 : memref<128xi32, #tpu.memory_space<vmem>>) dst(%dma_wait3A_407 : memref<524416xi32, #tpu.memory_space<vmem_shared>>)
    %dma_wait3A_408 = arith.constant 4 : i32
    %dma_wait3A_409 = arith.constant 4 : i32
    %dma_wait3A_410 = arith.constant 0 : i32
    %dma_wait3A_411 = tpu.memref_slice %arg6[%dma_wait3A_408, %dma_wait3A_410] : memref<32x128xi32, #tpu.memory_space<vmem>> -> memref<1x128xi32, #tpu.memory_space<vmem>>
    %dma_wait3A_412 = tpu.memref_squeeze %dma_wait3A_411 : memref<1x128xi32, #tpu.memory_space<vmem>> -> memref<128xi32, #tpu.memory_space<vmem>>
    %dma_wait3A_413 = arith.constant 0 : i32
    %dma_wait3A_414 = tpu.memref_slice %arg5[%dma_wait3A_409, %dma_wait3A_413] : memref<32x128xi32, #tpu.memory_space<vmem>> -> memref<1x128xi32, #tpu.memory_space<vmem>>
    %dma_wait3A_415 = tpu.memref_squeeze %dma_wait3A_414 : memref<1x128xi32, #tpu.memory_space<vmem>> -> memref<128xi32, #tpu.memory_space<vmem>>
    %dma_wait3A_416 = arith.constant 0 : i32
    %dma_wait3A_417 = tpu.memref_slice %arg8[%dma_wait3A_416] : memref<524416xi32, #tpu.memory_space<vmem_shared>> -> memref<524416xi32, #tpu.memory_space<vmem_shared>>
    tpu.wait_indirect_dma semaphore(%arg9 : memref<!tpu.dma_semaphore, #tpu.memory_space<semaphore_mem>>) src(%dma_wait3A_412 : memref<128xi32, #tpu.memory_space<vmem>>) dst(%dma_wait3A_417 : memref<524416xi32, #tpu.memory_space<vmem_shared>>)
    %dma_wait3A_418 = arith.constant 5 : i32
    %dma_wait3A_419 = arith.constant 5 : i32
    %dma_wait3A_420 = arith.constant 0 : i32
    %dma_wait3A_421 = tpu.memref_slice %arg6[%dma_wait3A_418, %dma_wait3A_420] : memref<32x128xi32, #tpu.memory_space<vmem>> -> memref<1x128xi32, #tpu.memory_space<vmem>>
    %dma_wait3A_422 = tpu.memref_squeeze %dma_wait3A_421 : memref<1x128xi32, #tpu.memory_space<vmem>> -> memref<128xi32, #tpu.memory_space<vmem>>
    %dma_wait3A_423 = arith.constant 0 : i32
    %dma_wait3A_424 = tpu.memref_slice %arg5[%dma_wait3A_419, %dma_wait3A_423] : memref<32x128xi32, #tpu.memory_space<vmem>> -> memref<1x128xi32, #tpu.memory_space<vmem>>
    %dma_wait3A_425 = tpu.memref_squeeze %dma_wait3A_424 : memref<1x128xi32, #tpu.memory_space<vmem>> -> memref<128xi32, #tpu.memory_space<vmem>>
    %dma_wait3A_426 = arith.constant 0 : i32
    %dma_wait3A_427 = tpu.memref_slice %arg8[%dma_wait3A_426] : memref<524416xi32, #tpu.memory_space<vmem_shared>> -> memref<524416xi32, #tpu.memory_space<vmem_shared>>
    tpu.wait_indirect_dma semaphore(%arg9 : memref<!tpu.dma_semaphore, #tpu.memory_space<semaphore_mem>>) src(%dma_wait3A_422 : memref<128xi32, #tpu.memory_space<vmem>>) dst(%dma_wait3A_427 : memref<524416xi32, #tpu.memory_space<vmem_shared>>)
    %dma_wait3A_428 = arith.constant 6 : i32
    %dma_wait3A_429 = arith.constant 6 : i32
    %dma_wait3A_430 = arith.constant 0 : i32
    %dma_wait3A_431 = tpu.memref_slice %arg6[%dma_wait3A_428, %dma_wait3A_430] : memref<32x128xi32, #tpu.memory_space<vmem>> -> memref<1x128xi32, #tpu.memory_space<vmem>>
    %dma_wait3A_432 = tpu.memref_squeeze %dma_wait3A_431 : memref<1x128xi32, #tpu.memory_space<vmem>> -> memref<128xi32, #tpu.memory_space<vmem>>
    %dma_wait3A_433 = arith.constant 0 : i32
    %dma_wait3A_434 = tpu.memref_slice %arg5[%dma_wait3A_429, %dma_wait3A_433] : memref<32x128xi32, #tpu.memory_space<vmem>> -> memref<1x128xi32, #tpu.memory_space<vmem>>
    %dma_wait3A_435 = tpu.memref_squeeze %dma_wait3A_434 : memref<1x128xi32, #tpu.memory_space<vmem>> -> memref<128xi32, #tpu.memory_space<vmem>>
    %dma_wait3A_436 = arith.constant 0 : i32
    %dma_wait3A_437 = tpu.memref_slice %arg8[%dma_wait3A_436] : memref<524416xi32, #tpu.memory_space<vmem_shared>> -> memref<524416xi32, #tpu.memory_space<vmem_shared>>
    tpu.wait_indirect_dma semaphore(%arg9 : memref<!tpu.dma_semaphore, #tpu.memory_space<semaphore_mem>>) src(%dma_wait3A_432 : memref<128xi32, #tpu.memory_space<vmem>>) dst(%dma_wait3A_437 : memref<524416xi32, #tpu.memory_space<vmem_shared>>)
    %dma_wait3A_438 = arith.constant 7 : i32
    %dma_wait3A_439 = arith.constant 7 : i32
    %dma_wait3A_440 = arith.constant 0 : i32
    %dma_wait3A_441 = tpu.memref_slice %arg6[%dma_wait3A_438, %dma_wait3A_440] : memref<32x128xi32, #tpu.memory_space<vmem>> -> memref<1x128xi32, #tpu.memory_space<vmem>>
    %dma_wait3A_442 = tpu.memref_squeeze %dma_wait3A_441 : memref<1x128xi32, #tpu.memory_space<vmem>> -> memref<128xi32, #tpu.memory_space<vmem>>
    %dma_wait3A_443 = arith.constant 0 : i32
    %dma_wait3A_444 = tpu.memref_slice %arg5[%dma_wait3A_439, %dma_wait3A_443] : memref<32x128xi32, #tpu.memory_space<vmem>> -> memref<1x128xi32, #tpu.memory_space<vmem>>
    %dma_wait3A_445 = tpu.memref_squeeze %dma_wait3A_444 : memref<1x128xi32, #tpu.memory_space<vmem>> -> memref<128xi32, #tpu.memory_space<vmem>>
    %dma_wait3A_446 = arith.constant 0 : i32
    %dma_wait3A_447 = tpu.memref_slice %arg8[%dma_wait3A_446] : memref<524416xi32, #tpu.memory_space<vmem_shared>> -> memref<524416xi32, #tpu.memory_space<vmem_shared>>
    tpu.wait_indirect_dma semaphore(%arg9 : memref<!tpu.dma_semaphore, #tpu.memory_space<semaphore_mem>>) src(%dma_wait3A_442 : memref<128xi32, #tpu.memory_space<vmem>>) dst(%dma_wait3A_447 : memref<524416xi32, #tpu.memory_space<vmem_shared>>)
    %dma_wait3A_448 = arith.constant 8 : i32
    %dma_wait3A_449 = arith.constant 8 : i32
    %dma_wait3A_450 = arith.constant 0 : i32
    %dma_wait3A_451 = tpu.memref_slice %arg6[%dma_wait3A_448, %dma_wait3A_450] : memref<32x128xi32, #tpu.memory_space<vmem>> -> memref<1x128xi32, #tpu.memory_space<vmem>>
    %dma_wait3A_452 = tpu.memref_squeeze %dma_wait3A_451 : memref<1x128xi32, #tpu.memory_space<vmem>> -> memref<128xi32, #tpu.memory_space<vmem>>
    %dma_wait3A_453 = arith.constant 0 : i32
    %dma_wait3A_454 = tpu.memref_slice %arg5[%dma_wait3A_449, %dma_wait3A_453] : memref<32x128xi32, #tpu.memory_space<vmem>> -> memref<1x128xi32, #tpu.memory_space<vmem>>
    %dma_wait3A_455 = tpu.memref_squeeze %dma_wait3A_454 : memref<1x128xi32, #tpu.memory_space<vmem>> -> memref<128xi32, #tpu.memory_space<vmem>>
    %dma_wait3A_456 = arith.constant 0 : i32
    %dma_wait3A_457 = tpu.memref_slice %arg8[%dma_wait3A_456] : memref<524416xi32, #tpu.memory_space<vmem_shared>> -> memref<524416xi32, #tpu.memory_space<vmem_shared>>
    tpu.wait_indirect_dma semaphore(%arg9 : memref<!tpu.dma_semaphore, #tpu.memory_space<semaphore_mem>>) src(%dma_wait3A_452 : memref<128xi32, #tpu.memory_space<vmem>>) dst(%dma_wait3A_457 : memref<524416xi32, #tpu.memory_space<vmem_shared>>)
    %dma_wait3A_458 = arith.constant 9 : i32
    %dma_wait3A_459 = arith.constant 9 : i32
    %dma_wait3A_460 = arith.constant 0 : i32
    %dma_wait3A_461 = tpu.memref_slice %arg6[%dma_wait3A_458, %dma_wait3A_460] : memref<32x128xi32, #tpu.memory_space<vmem>> -> memref<1x128xi32, #tpu.memory_space<vmem>>
    %dma_wait3A_462 = tpu.memref_squeeze %dma_wait3A_461 : memref<1x128xi32, #tpu.memory_space<vmem>> -> memref<128xi32, #tpu.memory_space<vmem>>
    %dma_wait3A_463 = arith.constant 0 : i32
    %dma_wait3A_464 = tpu.memref_slice %arg5[%dma_wait3A_459, %dma_wait3A_463] : memref<32x128xi32, #tpu.memory_space<vmem>> -> memref<1x128xi32, #tpu.memory_space<vmem>>
    %dma_wait3A_465 = tpu.memref_squeeze %dma_wait3A_464 : memref<1x128xi32, #tpu.memory_space<vmem>> -> memref<128xi32, #tpu.memory_space<vmem>>
    %dma_wait3A_466 = arith.constant 0 : i32
    %dma_wait3A_467 = tpu.memref_slice %arg8[%dma_wait3A_466] : memref<524416xi32, #tpu.memory_space<vmem_shared>> -> memref<524416xi32, #tpu.memory_space<vmem_shared>>
    tpu.wait_indirect_dma semaphore(%arg9 : memref<!tpu.dma_semaphore, #tpu.memory_space<semaphore_mem>>) src(%dma_wait3A_462 : memref<128xi32, #tpu.memory_space<vmem>>) dst(%dma_wait3A_467 : memref<524416xi32, #tpu.memory_space<vmem_shared>>)
    %dma_wait3A_468 = arith.constant 10 : i32
    %dma_wait3A_469 = arith.constant 10 : i32
    %dma_wait3A_470 = arith.constant 0 : i32
    %dma_wait3A_471 = tpu.memref_slice %arg6[%dma_wait3A_468, %dma_wait3A_470] : memref<32x128xi32, #tpu.memory_space<vmem>> -> memref<1x128xi32, #tpu.memory_space<vmem>>
    %dma_wait3A_472 = tpu.memref_squeeze %dma_wait3A_471 : memref<1x128xi32, #tpu.memory_space<vmem>> -> memref<128xi32, #tpu.memory_space<vmem>>
    %dma_wait3A_473 = arith.constant 0 : i32
    %dma_wait3A_474 = tpu.memref_slice %arg5[%dma_wait3A_469, %dma_wait3A_473] : memref<32x128xi32, #tpu.memory_space<vmem>> -> memref<1x128xi32, #tpu.memory_space<vmem>>
    %dma_wait3A_475 = tpu.memref_squeeze %dma_wait3A_474 : memref<1x128xi32, #tpu.memory_space<vmem>> -> memref<128xi32, #tpu.memory_space<vmem>>
    %dma_wait3A_476 = arith.constant 0 : i32
    %dma_wait3A_477 = tpu.memref_slice %arg8[%dma_wait3A_476] : memref<524416xi32, #tpu.memory_space<vmem_shared>> -> memref<524416xi32, #tpu.memory_space<vmem_shared>>
    tpu.wait_indirect_dma semaphore(%arg9 : memref<!tpu.dma_semaphore, #tpu.memory_space<semaphore_mem>>) src(%dma_wait3A_472 : memref<128xi32, #tpu.memory_space<vmem>>) dst(%dma_wait3A_477 : memref<524416xi32, #tpu.memory_space<vmem_shared>>)
    %dma_wait3A_478 = arith.constant 11 : i32
    %dma_wait3A_479 = arith.constant 11 : i32
    %dma_wait3A_480 = arith.constant 0 : i32
    %dma_wait3A_481 = tpu.memref_slice %arg6[%dma_wait3A_478, %dma_wait3A_480] : memref<32x128xi32, #tpu.memory_space<vmem>> -> memref<1x128xi32, #tpu.memory_space<vmem>>
    %dma_wait3A_482 = tpu.memref_squeeze %dma_wait3A_481 : memref<1x128xi32, #tpu.memory_space<vmem>> -> memref<128xi32, #tpu.memory_space<vmem>>
    %dma_wait3A_483 = arith.constant 0 : i32
    %dma_wait3A_484 = tpu.memref_slice %arg5[%dma_wait3A_479, %dma_wait3A_483] : memref<32x128xi32, #tpu.memory_space<vmem>> -> memref<1x128xi32, #tpu.memory_space<vmem>>
    %dma_wait3A_485 = tpu.memref_squeeze %dma_wait3A_484 : memref<1x128xi32, #tpu.memory_space<vmem>> -> memref<128xi32, #tpu.memory_space<vmem>>
    %dma_wait3A_486 = arith.constant 0 : i32
    %dma_wait3A_487 = tpu.memref_slice %arg8[%dma_wait3A_486] : memref<524416xi32, #tpu.memory_space<vmem_shared>> -> memref<524416xi32, #tpu.memory_space<vmem_shared>>
    tpu.wait_indirect_dma semaphore(%arg9 : memref<!tpu.dma_semaphore, #tpu.memory_space<semaphore_mem>>) src(%dma_wait3A_482 : memref<128xi32, #tpu.memory_space<vmem>>) dst(%dma_wait3A_487 : memref<524416xi32, #tpu.memory_space<vmem_shared>>)
    %dma_wait3A_488 = arith.constant 12 : i32
    %dma_wait3A_489 = arith.constant 12 : i32
    %dma_wait3A_490 = arith.constant 0 : i32
    %dma_wait3A_491 = tpu.memref_slice %arg6[%dma_wait3A_488, %dma_wait3A_490] : memref<32x128xi32, #tpu.memory_space<vmem>> -> memref<1x128xi32, #tpu.memory_space<vmem>>
    %dma_wait3A_492 = tpu.memref_squeeze %dma_wait3A_491 : memref<1x128xi32, #tpu.memory_space<vmem>> -> memref<128xi32, #tpu.memory_space<vmem>>
    %dma_wait3A_493 = arith.constant 0 : i32
    %dma_wait3A_494 = tpu.memref_slice %arg5[%dma_wait3A_489, %dma_wait3A_493] : memref<32x128xi32, #tpu.memory_space<vmem>> -> memref<1x128xi32, #tpu.memory_space<vmem>>
    %dma_wait3A_495 = tpu.memref_squeeze %dma_wait3A_494 : memref<1x128xi32, #tpu.memory_space<vmem>> -> memref<128xi32, #tpu.memory_space<vmem>>
    %dma_wait3A_496 = arith.constant 0 : i32
    %dma_wait3A_497 = tpu.memref_slice %arg8[%dma_wait3A_496] : memref<524416xi32, #tpu.memory_space<vmem_shared>> -> memref<524416xi32, #tpu.memory_space<vmem_shared>>
    tpu.wait_indirect_dma semaphore(%arg9 : memref<!tpu.dma_semaphore, #tpu.memory_space<semaphore_mem>>) src(%dma_wait3A_492 : memref<128xi32, #tpu.memory_space<vmem>>) dst(%dma_wait3A_497 : memref<524416xi32, #tpu.memory_space<vmem_shared>>)
    %dma_wait3A_498 = arith.constant 13 : i32
    %dma_wait3A_499 = arith.constant 13 : i32
    %dma_wait3A_500 = arith.constant 0 : i32
    %dma_wait3A_501 = tpu.memref_slice %arg6[%dma_wait3A_498, %dma_wait3A_500] : memref<32x128xi32, #tpu.memory_space<vmem>> -> memref<1x128xi32, #tpu.memory_space<vmem>>
    %dma_wait3A_502 = tpu.memref_squeeze %dma_wait3A_501 : memref<1x128xi32, #tpu.memory_space<vmem>> -> memref<128xi32, #tpu.memory_space<vmem>>
    %dma_wait3A_503 = arith.constant 0 : i32
    %dma_wait3A_504 = tpu.memref_slice %arg5[%dma_wait3A_499, %dma_wait3A_503] : memref<32x128xi32, #tpu.memory_space<vmem>> -> memref<1x128xi32, #tpu.memory_space<vmem>>
    %dma_wait3A_505 = tpu.memref_squeeze %dma_wait3A_504 : memref<1x128xi32, #tpu.memory_space<vmem>> -> memref<128xi32, #tpu.memory_space<vmem>>
    %dma_wait3A_506 = arith.constant 0 : i32
    %dma_wait3A_507 = tpu.memref_slice %arg8[%dma_wait3A_506] : memref<524416xi32, #tpu.memory_space<vmem_shared>> -> memref<524416xi32, #tpu.memory_space<vmem_shared>>
    tpu.wait_indirect_dma semaphore(%arg9 : memref<!tpu.dma_semaphore, #tpu.memory_space<semaphore_mem>>) src(%dma_wait3A_502 : memref<128xi32, #tpu.memory_space<vmem>>) dst(%dma_wait3A_507 : memref<524416xi32, #tpu.memory_space<vmem_shared>>)
    %dma_wait3A_508 = arith.constant 14 : i32
    %dma_wait3A_509 = arith.constant 14 : i32
    %dma_wait3A_510 = arith.constant 0 : i32
    %dma_wait3A_511 = tpu.memref_slice %arg6[%dma_wait3A_508, %dma_wait3A_510] : memref<32x128xi32, #tpu.memory_space<vmem>> -> memref<1x128xi32, #tpu.memory_space<vmem>>
    %dma_wait3A_512 = tpu.memref_squeeze %dma_wait3A_511 : memref<1x128xi32, #tpu.memory_space<vmem>> -> memref<128xi32, #tpu.memory_space<vmem>>
    %dma_wait3A_513 = arith.constant 0 : i32
    %dma_wait3A_514 = tpu.memref_slice %arg5[%dma_wait3A_509, %dma_wait3A_513] : memref<32x128xi32, #tpu.memory_space<vmem>> -> memref<1x128xi32, #tpu.memory_space<vmem>>
    %dma_wait3A_515 = tpu.memref_squeeze %dma_wait3A_514 : memref<1x128xi32, #tpu.memory_space<vmem>> -> memref<128xi32, #tpu.memory_space<vmem>>
    %dma_wait3A_516 = arith.constant 0 : i32
    %dma_wait3A_517 = tpu.memref_slice %arg8[%dma_wait3A_516] : memref<524416xi32, #tpu.memory_space<vmem_shared>> -> memref<524416xi32, #tpu.memory_space<vmem_shared>>
    tpu.wait_indirect_dma semaphore(%arg9 : memref<!tpu.dma_semaphore, #tpu.memory_space<semaphore_mem>>) src(%dma_wait3A_512 : memref<128xi32, #tpu.memory_space<vmem>>) dst(%dma_wait3A_517 : memref<524416xi32, #tpu.memory_space<vmem_shared>>)
    %dma_wait3A_518 = arith.constant 15 : i32
    %dma_wait3A_519 = arith.constant 15 : i32
    %dma_wait3A_520 = arith.constant 0 : i32
    %dma_wait3A_521 = tpu.memref_slice %arg6[%dma_wait3A_518, %dma_wait3A_520] : memref<32x128xi32, #tpu.memory_space<vmem>> -> memref<1x128xi32, #tpu.memory_space<vmem>>
    %dma_wait3A_522 = tpu.memref_squeeze %dma_wait3A_521 : memref<1x128xi32, #tpu.memory_space<vmem>> -> memref<128xi32, #tpu.memory_space<vmem>>
    %dma_wait3A_523 = arith.constant 0 : i32
    %dma_wait3A_524 = tpu.memref_slice %arg5[%dma_wait3A_519, %dma_wait3A_523] : memref<32x128xi32, #tpu.memory_space<vmem>> -> memref<1x128xi32, #tpu.memory_space<vmem>>
    %dma_wait3A_525 = tpu.memref_squeeze %dma_wait3A_524 : memref<1x128xi32, #tpu.memory_space<vmem>> -> memref<128xi32, #tpu.memory_space<vmem>>
    %dma_wait3A_526 = arith.constant 0 : i32
    %dma_wait3A_527 = tpu.memref_slice %arg8[%dma_wait3A_526] : memref<524416xi32, #tpu.memory_space<vmem_shared>> -> memref<524416xi32, #tpu.memory_space<vmem_shared>>
    tpu.wait_indirect_dma semaphore(%arg9 : memref<!tpu.dma_semaphore, #tpu.memory_space<semaphore_mem>>) src(%dma_wait3A_522 : memref<128xi32, #tpu.memory_space<vmem>>) dst(%dma_wait3A_527 : memref<524416xi32, #tpu.memory_space<vmem_shared>>)
    %dma_wait3A_528 = arith.constant 16 : i32
    %dma_wait3A_529 = arith.constant 16 : i32
    %dma_wait3A_530 = arith.constant 0 : i32
    %dma_wait3A_531 = tpu.memref_slice %arg6[%dma_wait3A_528, %dma_wait3A_530] : memref<32x128xi32, #tpu.memory_space<vmem>> -> memref<1x128xi32, #tpu.memory_space<vmem>>
    %dma_wait3A_532 = tpu.memref_squeeze %dma_wait3A_531 : memref<1x128xi32, #tpu.memory_space<vmem>> -> memref<128xi32, #tpu.memory_space<vmem>>
    %dma_wait3A_533 = arith.constant 0 : i32
    %dma_wait3A_534 = tpu.memref_slice %arg5[%dma_wait3A_529, %dma_wait3A_533] : memref<32x128xi32, #tpu.memory_space<vmem>> -> memref<1x128xi32, #tpu.memory_space<vmem>>
    %dma_wait3A_535 = tpu.memref_squeeze %dma_wait3A_534 : memref<1x128xi32, #tpu.memory_space<vmem>> -> memref<128xi32, #tpu.memory_space<vmem>>
    %dma_wait3A_536 = arith.constant 0 : i32
    %dma_wait3A_537 = tpu.memref_slice %arg8[%dma_wait3A_536] : memref<524416xi32, #tpu.memory_space<vmem_shared>> -> memref<524416xi32, #tpu.memory_space<vmem_shared>>
    tpu.wait_indirect_dma semaphore(%arg9 : memref<!tpu.dma_semaphore, #tpu.memory_space<semaphore_mem>>) src(%dma_wait3A_532 : memref<128xi32, #tpu.memory_space<vmem>>) dst(%dma_wait3A_537 : memref<524416xi32, #tpu.memory_space<vmem_shared>>)
    %dma_wait3A_538 = arith.constant 17 : i32
    %dma_wait3A_539 = arith.constant 17 : i32
    %dma_wait3A_540 = arith.constant 0 : i32
    %dma_wait3A_541 = tpu.memref_slice %arg6[%dma_wait3A_538, %dma_wait3A_540] : memref<32x128xi32, #tpu.memory_space<vmem>> -> memref<1x128xi32, #tpu.memory_space<vmem>>
    %dma_wait3A_542 = tpu.memref_squeeze %dma_wait3A_541 : memref<1x128xi32, #tpu.memory_space<vmem>> -> memref<128xi32, #tpu.memory_space<vmem>>
    %dma_wait3A_543 = arith.constant 0 : i32
    %dma_wait3A_544 = tpu.memref_slice %arg5[%dma_wait3A_539, %dma_wait3A_543] : memref<32x128xi32, #tpu.memory_space<vmem>> -> memref<1x128xi32, #tpu.memory_space<vmem>>
    %dma_wait3A_545 = tpu.memref_squeeze %dma_wait3A_544 : memref<1x128xi32, #tpu.memory_space<vmem>> -> memref<128xi32, #tpu.memory_space<vmem>>
    %dma_wait3A_546 = arith.constant 0 : i32
    %dma_wait3A_547 = tpu.memref_slice %arg8[%dma_wait3A_546] : memref<524416xi32, #tpu.memory_space<vmem_shared>> -> memref<524416xi32, #tpu.memory_space<vmem_shared>>
    tpu.wait_indirect_dma semaphore(%arg9 : memref<!tpu.dma_semaphore, #tpu.memory_space<semaphore_mem>>) src(%dma_wait3A_542 : memref<128xi32, #tpu.memory_space<vmem>>) dst(%dma_wait3A_547 : memref<524416xi32, #tpu.memory_space<vmem_shared>>)
    %dma_wait3A_548 = arith.constant 18 : i32
    %dma_wait3A_549 = arith.constant 18 : i32
    %dma_wait3A_550 = arith.constant 0 : i32
    %dma_wait3A_551 = tpu.memref_slice %arg6[%dma_wait3A_548, %dma_wait3A_550] : memref<32x128xi32, #tpu.memory_space<vmem>> -> memref<1x128xi32, #tpu.memory_space<vmem>>
    %dma_wait3A_552 = tpu.memref_squeeze %dma_wait3A_551 : memref<1x128xi32, #tpu.memory_space<vmem>> -> memref<128xi32, #tpu.memory_space<vmem>>
    %dma_wait3A_553 = arith.constant 0 : i32
    %dma_wait3A_554 = tpu.memref_slice %arg5[%dma_wait3A_549, %dma_wait3A_553] : memref<32x128xi32, #tpu.memory_space<vmem>> -> memref<1x128xi32, #tpu.memory_space<vmem>>
    %dma_wait3A_555 = tpu.memref_squeeze %dma_wait3A_554 : memref<1x128xi32, #tpu.memory_space<vmem>> -> memref<128xi32, #tpu.memory_space<vmem>>
    %dma_wait3A_556 = arith.constant 0 : i32
    %dma_wait3A_557 = tpu.memref_slice %arg8[%dma_wait3A_556] : memref<524416xi32, #tpu.memory_space<vmem_shared>> -> memref<524416xi32, #tpu.memory_space<vmem_shared>>
    tpu.wait_indirect_dma semaphore(%arg9 : memref<!tpu.dma_semaphore, #tpu.memory_space<semaphore_mem>>) src(%dma_wait3A_552 : memref<128xi32, #tpu.memory_space<vmem>>) dst(%dma_wait3A_557 : memref<524416xi32, #tpu.memory_space<vmem_shared>>)
    %dma_wait3A_558 = arith.constant 19 : i32
    %dma_wait3A_559 = arith.constant 19 : i32
    %dma_wait3A_560 = arith.constant 0 : i32
    %dma_wait3A_561 = tpu.memref_slice %arg6[%dma_wait3A_558, %dma_wait3A_560] : memref<32x128xi32, #tpu.memory_space<vmem>> -> memref<1x128xi32, #tpu.memory_space<vmem>>
    %dma_wait3A_562 = tpu.memref_squeeze %dma_wait3A_561 : memref<1x128xi32, #tpu.memory_space<vmem>> -> memref<128xi32, #tpu.memory_space<vmem>>
    %dma_wait3A_563 = arith.constant 0 : i32
    %dma_wait3A_564 = tpu.memref_slice %arg5[%dma_wait3A_559, %dma_wait3A_563] : memref<32x128xi32, #tpu.memory_space<vmem>> -> memref<1x128xi32, #tpu.memory_space<vmem>>
    %dma_wait3A_565 = tpu.memref_squeeze %dma_wait3A_564 : memref<1x128xi32, #tpu.memory_space<vmem>> -> memref<128xi32, #tpu.memory_space<vmem>>
    %dma_wait3A_566 = arith.constant 0 : i32
    %dma_wait3A_567 = tpu.memref_slice %arg8[%dma_wait3A_566] : memref<524416xi32, #tpu.memory_space<vmem_shared>> -> memref<524416xi32, #tpu.memory_space<vmem_shared>>
    tpu.wait_indirect_dma semaphore(%arg9 : memref<!tpu.dma_semaphore, #tpu.memory_space<semaphore_mem>>) src(%dma_wait3A_562 : memref<128xi32, #tpu.memory_space<vmem>>) dst(%dma_wait3A_567 : memref<524416xi32, #tpu.memory_space<vmem_shared>>)
    %dma_wait3A_568 = arith.constant 20 : i32
    %dma_wait3A_569 = arith.constant 20 : i32
    %dma_wait3A_570 = arith.constant 0 : i32
    %dma_wait3A_571 = tpu.memref_slice %arg6[%dma_wait3A_568, %dma_wait3A_570] : memref<32x128xi32, #tpu.memory_space<vmem>> -> memref<1x128xi32, #tpu.memory_space<vmem>>
    %dma_wait3A_572 = tpu.memref_squeeze %dma_wait3A_571 : memref<1x128xi32, #tpu.memory_space<vmem>> -> memref<128xi32, #tpu.memory_space<vmem>>
    %dma_wait3A_573 = arith.constant 0 : i32
    %dma_wait3A_574 = tpu.memref_slice %arg5[%dma_wait3A_569, %dma_wait3A_573] : memref<32x128xi32, #tpu.memory_space<vmem>> -> memref<1x128xi32, #tpu.memory_space<vmem>>
    %dma_wait3A_575 = tpu.memref_squeeze %dma_wait3A_574 : memref<1x128xi32, #tpu.memory_space<vmem>> -> memref<128xi32, #tpu.memory_space<vmem>>
    %dma_wait3A_576 = arith.constant 0 : i32
    %dma_wait3A_577 = tpu.memref_slice %arg8[%dma_wait3A_576] : memref<524416xi32, #tpu.memory_space<vmem_shared>> -> memref<524416xi32, #tpu.memory_space<vmem_shared>>
    tpu.wait_indirect_dma semaphore(%arg9 : memref<!tpu.dma_semaphore, #tpu.memory_space<semaphore_mem>>) src(%dma_wait3A_572 : memref<128xi32, #tpu.memory_space<vmem>>) dst(%dma_wait3A_577 : memref<524416xi32, #tpu.memory_space<vmem_shared>>)
    %dma_wait3A_578 = arith.constant 21 : i32
    %dma_wait3A_579 = arith.constant 21 : i32
    %dma_wait3A_580 = arith.constant 0 : i32
    %dma_wait3A_581 = tpu.memref_slice %arg6[%dma_wait3A_578, %dma_wait3A_580] : memref<32x128xi32, #tpu.memory_space<vmem>> -> memref<1x128xi32, #tpu.memory_space<vmem>>
    %dma_wait3A_582 = tpu.memref_squeeze %dma_wait3A_581 : memref<1x128xi32, #tpu.memory_space<vmem>> -> memref<128xi32, #tpu.memory_space<vmem>>
    %dma_wait3A_583 = arith.constant 0 : i32
    %dma_wait3A_584 = tpu.memref_slice %arg5[%dma_wait3A_579, %dma_wait3A_583] : memref<32x128xi32, #tpu.memory_space<vmem>> -> memref<1x128xi32, #tpu.memory_space<vmem>>
    %dma_wait3A_585 = tpu.memref_squeeze %dma_wait3A_584 : memref<1x128xi32, #tpu.memory_space<vmem>> -> memref<128xi32, #tpu.memory_space<vmem>>
    %dma_wait3A_586 = arith.constant 0 : i32
    %dma_wait3A_587 = tpu.memref_slice %arg8[%dma_wait3A_586] : memref<524416xi32, #tpu.memory_space<vmem_shared>> -> memref<524416xi32, #tpu.memory_space<vmem_shared>>
    tpu.wait_indirect_dma semaphore(%arg9 : memref<!tpu.dma_semaphore, #tpu.memory_space<semaphore_mem>>) src(%dma_wait3A_582 : memref<128xi32, #tpu.memory_space<vmem>>) dst(%dma_wait3A_587 : memref<524416xi32, #tpu.memory_space<vmem_shared>>)
    %dma_wait3A_588 = arith.constant 22 : i32
    %dma_wait3A_589 = arith.constant 22 : i32
    %dma_wait3A_590 = arith.constant 0 : i32
    %dma_wait3A_591 = tpu.memref_slice %arg6[%dma_wait3A_588, %dma_wait3A_590] : memref<32x128xi32, #tpu.memory_space<vmem>> -> memref<1x128xi32, #tpu.memory_space<vmem>>
    %dma_wait3A_592 = tpu.memref_squeeze %dma_wait3A_591 : memref<1x128xi32, #tpu.memory_space<vmem>> -> memref<128xi32, #tpu.memory_space<vmem>>
    %dma_wait3A_593 = arith.constant 0 : i32
    %dma_wait3A_594 = tpu.memref_slice %arg5[%dma_wait3A_589, %dma_wait3A_593] : memref<32x128xi32, #tpu.memory_space<vmem>> -> memref<1x128xi32, #tpu.memory_space<vmem>>
    %dma_wait3A_595 = tpu.memref_squeeze %dma_wait3A_594 : memref<1x128xi32, #tpu.memory_space<vmem>> -> memref<128xi32, #tpu.memory_space<vmem>>
    %dma_wait3A_596 = arith.constant 0 : i32
    %dma_wait3A_597 = tpu.memref_slice %arg8[%dma_wait3A_596] : memref<524416xi32, #tpu.memory_space<vmem_shared>> -> memref<524416xi32, #tpu.memory_space<vmem_shared>>
    tpu.wait_indirect_dma semaphore(%arg9 : memref<!tpu.dma_semaphore, #tpu.memory_space<semaphore_mem>>) src(%dma_wait3A_592 : memref<128xi32, #tpu.memory_space<vmem>>) dst(%dma_wait3A_597 : memref<524416xi32, #tpu.memory_space<vmem_shared>>)
    %dma_wait3A_598 = arith.constant 23 : i32
    %dma_wait3A_599 = arith.constant 23 : i32
    %dma_wait3A_600 = arith.constant 0 : i32
    %dma_wait3A_601 = tpu.memref_slice %arg6[%dma_wait3A_598, %dma_wait3A_600] : memref<32x128xi32, #tpu.memory_space<vmem>> -> memref<1x128xi32, #tpu.memory_space<vmem>>
    %dma_wait3A_602 = tpu.memref_squeeze %dma_wait3A_601 : memref<1x128xi32, #tpu.memory_space<vmem>> -> memref<128xi32, #tpu.memory_space<vmem>>
    %dma_wait3A_603 = arith.constant 0 : i32
    %dma_wait3A_604 = tpu.memref_slice %arg5[%dma_wait3A_599, %dma_wait3A_603] : memref<32x128xi32, #tpu.memory_space<vmem>> -> memref<1x128xi32, #tpu.memory_space<vmem>>
    %dma_wait3A_605 = tpu.memref_squeeze %dma_wait3A_604 : memref<1x128xi32, #tpu.memory_space<vmem>> -> memref<128xi32, #tpu.memory_space<vmem>>
    %dma_wait3A_606 = arith.constant 0 : i32
    %dma_wait3A_607 = tpu.memref_slice %arg8[%dma_wait3A_606] : memref<524416xi32, #tpu.memory_space<vmem_shared>> -> memref<524416xi32, #tpu.memory_space<vmem_shared>>
    tpu.wait_indirect_dma semaphore(%arg9 : memref<!tpu.dma_semaphore, #tpu.memory_space<semaphore_mem>>) src(%dma_wait3A_602 : memref<128xi32, #tpu.memory_space<vmem>>) dst(%dma_wait3A_607 : memref<524416xi32, #tpu.memory_space<vmem_shared>>)
    %dma_wait3A_608 = arith.constant 24 : i32
    %dma_wait3A_609 = arith.constant 24 : i32
    %dma_wait3A_610 = arith.constant 0 : i32
    %dma_wait3A_611 = tpu.memref_slice %arg6[%dma_wait3A_608, %dma_wait3A_610] : memref<32x128xi32, #tpu.memory_space<vmem>> -> memref<1x128xi32, #tpu.memory_space<vmem>>
    %dma_wait3A_612 = tpu.memref_squeeze %dma_wait3A_611 : memref<1x128xi32, #tpu.memory_space<vmem>> -> memref<128xi32, #tpu.memory_space<vmem>>
    %dma_wait3A_613 = arith.constant 0 : i32
    %dma_wait3A_614 = tpu.memref_slice %arg5[%dma_wait3A_609, %dma_wait3A_613] : memref<32x128xi32, #tpu.memory_space<vmem>> -> memref<1x128xi32, #tpu.memory_space<vmem>>
    %dma_wait3A_615 = tpu.memref_squeeze %dma_wait3A_614 : memref<1x128xi32, #tpu.memory_space<vmem>> -> memref<128xi32, #tpu.memory_space<vmem>>
    %dma_wait3A_616 = arith.constant 0 : i32
    %dma_wait3A_617 = tpu.memref_slice %arg8[%dma_wait3A_616] : memref<524416xi32, #tpu.memory_space<vmem_shared>> -> memref<524416xi32, #tpu.memory_space<vmem_shared>>
    tpu.wait_indirect_dma semaphore(%arg9 : memref<!tpu.dma_semaphore, #tpu.memory_space<semaphore_mem>>) src(%dma_wait3A_612 : memref<128xi32, #tpu.memory_space<vmem>>) dst(%dma_wait3A_617 : memref<524416xi32, #tpu.memory_space<vmem_shared>>)
    %dma_wait3A_618 = arith.constant 25 : i32
    %dma_wait3A_619 = arith.constant 25 : i32
    %dma_wait3A_620 = arith.constant 0 : i32
    %dma_wait3A_621 = tpu.memref_slice %arg6[%dma_wait3A_618, %dma_wait3A_620] : memref<32x128xi32, #tpu.memory_space<vmem>> -> memref<1x128xi32, #tpu.memory_space<vmem>>
    %dma_wait3A_622 = tpu.memref_squeeze %dma_wait3A_621 : memref<1x128xi32, #tpu.memory_space<vmem>> -> memref<128xi32, #tpu.memory_space<vmem>>
    %dma_wait3A_623 = arith.constant 0 : i32
    %dma_wait3A_624 = tpu.memref_slice %arg5[%dma_wait3A_619, %dma_wait3A_623] : memref<32x128xi32, #tpu.memory_space<vmem>> -> memref<1x128xi32, #tpu.memory_space<vmem>>
    %dma_wait3A_625 = tpu.memref_squeeze %dma_wait3A_624 : memref<1x128xi32, #tpu.memory_space<vmem>> -> memref<128xi32, #tpu.memory_space<vmem>>
    %dma_wait3A_626 = arith.constant 0 : i32
    %dma_wait3A_627 = tpu.memref_slice %arg8[%dma_wait3A_626] : memref<524416xi32, #tpu.memory_space<vmem_shared>> -> memref<524416xi32, #tpu.memory_space<vmem_shared>>
    tpu.wait_indirect_dma semaphore(%arg9 : memref<!tpu.dma_semaphore, #tpu.memory_space<semaphore_mem>>) src(%dma_wait3A_622 : memref<128xi32, #tpu.memory_space<vmem>>) dst(%dma_wait3A_627 : memref<524416xi32, #tpu.memory_space<vmem_shared>>)
    %dma_wait3A_628 = arith.constant 26 : i32
    %dma_wait3A_629 = arith.constant 26 : i32
    %dma_wait3A_630 = arith.constant 0 : i32
    %dma_wait3A_631 = tpu.memref_slice %arg6[%dma_wait3A_628, %dma_wait3A_630] : memref<32x128xi32, #tpu.memory_space<vmem>> -> memref<1x128xi32, #tpu.memory_space<vmem>>
    %dma_wait3A_632 = tpu.memref_squeeze %dma_wait3A_631 : memref<1x128xi32, #tpu.memory_space<vmem>> -> memref<128xi32, #tpu.memory_space<vmem>>
    %dma_wait3A_633 = arith.constant 0 : i32
    %dma_wait3A_634 = tpu.memref_slice %arg5[%dma_wait3A_629, %dma_wait3A_633] : memref<32x128xi32, #tpu.memory_space<vmem>> -> memref<1x128xi32, #tpu.memory_space<vmem>>
    %dma_wait3A_635 = tpu.memref_squeeze %dma_wait3A_634 : memref<1x128xi32, #tpu.memory_space<vmem>> -> memref<128xi32, #tpu.memory_space<vmem>>
    %dma_wait3A_636 = arith.constant 0 : i32
    %dma_wait3A_637 = tpu.memref_slice %arg8[%dma_wait3A_636] : memref<524416xi32, #tpu.memory_space<vmem_shared>> -> memref<524416xi32, #tpu.memory_space<vmem_shared>>
    tpu.wait_indirect_dma semaphore(%arg9 : memref<!tpu.dma_semaphore, #tpu.memory_space<semaphore_mem>>) src(%dma_wait3A_632 : memref<128xi32, #tpu.memory_space<vmem>>) dst(%dma_wait3A_637 : memref<524416xi32, #tpu.memory_space<vmem_shared>>)
    %dma_wait3A_638 = arith.constant 27 : i32
    %dma_wait3A_639 = arith.constant 27 : i32
    %dma_wait3A_640 = arith.constant 0 : i32
    %dma_wait3A_641 = tpu.memref_slice %arg6[%dma_wait3A_638, %dma_wait3A_640] : memref<32x128xi32, #tpu.memory_space<vmem>> -> memref<1x128xi32, #tpu.memory_space<vmem>>
    %dma_wait3A_642 = tpu.memref_squeeze %dma_wait3A_641 : memref<1x128xi32, #tpu.memory_space<vmem>> -> memref<128xi32, #tpu.memory_space<vmem>>
    %dma_wait3A_643 = arith.constant 0 : i32
    %dma_wait3A_644 = tpu.memref_slice %arg5[%dma_wait3A_639, %dma_wait3A_643] : memref<32x128xi32, #tpu.memory_space<vmem>> -> memref<1x128xi32, #tpu.memory_space<vmem>>
    %dma_wait3A_645 = tpu.memref_squeeze %dma_wait3A_644 : memref<1x128xi32, #tpu.memory_space<vmem>> -> memref<128xi32, #tpu.memory_space<vmem>>
    %dma_wait3A_646 = arith.constant 0 : i32
    %dma_wait3A_647 = tpu.memref_slice %arg8[%dma_wait3A_646] : memref<524416xi32, #tpu.memory_space<vmem_shared>> -> memref<524416xi32, #tpu.memory_space<vmem_shared>>
    tpu.wait_indirect_dma semaphore(%arg9 : memref<!tpu.dma_semaphore, #tpu.memory_space<semaphore_mem>>) src(%dma_wait3A_642 : memref<128xi32, #tpu.memory_space<vmem>>) dst(%dma_wait3A_647 : memref<524416xi32, #tpu.memory_space<vmem_shared>>)
    %dma_wait3A_648 = arith.constant 28 : i32
    %dma_wait3A_649 = arith.constant 28 : i32
    %dma_wait3A_650 = arith.constant 0 : i32
    %dma_wait3A_651 = tpu.memref_slice %arg6[%dma_wait3A_648, %dma_wait3A_650] : memref<32x128xi32, #tpu.memory_space<vmem>> -> memref<1x128xi32, #tpu.memory_space<vmem>>
    %dma_wait3A_652 = tpu.memref_squeeze %dma_wait3A_651 : memref<1x128xi32, #tpu.memory_space<vmem>> -> memref<128xi32, #tpu.memory_space<vmem>>
    %dma_wait3A_653 = arith.constant 0 : i32
    %dma_wait3A_654 = tpu.memref_slice %arg5[%dma_wait3A_649, %dma_wait3A_653] : memref<32x128xi32, #tpu.memory_space<vmem>> -> memref<1x128xi32, #tpu.memory_space<vmem>>
    %dma_wait3A_655 = tpu.memref_squeeze %dma_wait3A_654 : memref<1x128xi32, #tpu.memory_space<vmem>> -> memref<128xi32, #tpu.memory_space<vmem>>
    %dma_wait3A_656 = arith.constant 0 : i32
    %dma_wait3A_657 = tpu.memref_slice %arg8[%dma_wait3A_656] : memref<524416xi32, #tpu.memory_space<vmem_shared>> -> memref<524416xi32, #tpu.memory_space<vmem_shared>>
    tpu.wait_indirect_dma semaphore(%arg9 : memref<!tpu.dma_semaphore, #tpu.memory_space<semaphore_mem>>) src(%dma_wait3A_652 : memref<128xi32, #tpu.memory_space<vmem>>) dst(%dma_wait3A_657 : memref<524416xi32, #tpu.memory_space<vmem_shared>>)
    %dma_wait3A_658 = arith.constant 29 : i32
    %dma_wait3A_659 = arith.constant 29 : i32
    %dma_wait3A_660 = arith.constant 0 : i32
    %dma_wait3A_661 = tpu.memref_slice %arg6[%dma_wait3A_658, %dma_wait3A_660] : memref<32x128xi32, #tpu.memory_space<vmem>> -> memref<1x128xi32, #tpu.memory_space<vmem>>
    %dma_wait3A_662 = tpu.memref_squeeze %dma_wait3A_661 : memref<1x128xi32, #tpu.memory_space<vmem>> -> memref<128xi32, #tpu.memory_space<vmem>>
    %dma_wait3A_663 = arith.constant 0 : i32
    %dma_wait3A_664 = tpu.memref_slice %arg5[%dma_wait3A_659, %dma_wait3A_663] : memref<32x128xi32, #tpu.memory_space<vmem>> -> memref<1x128xi32, #tpu.memory_space<vmem>>
    %dma_wait3A_665 = tpu.memref_squeeze %dma_wait3A_664 : memref<1x128xi32, #tpu.memory_space<vmem>> -> memref<128xi32, #tpu.memory_space<vmem>>
    %dma_wait3A_666 = arith.constant 0 : i32
    %dma_wait3A_667 = tpu.memref_slice %arg8[%dma_wait3A_666] : memref<524416xi32, #tpu.memory_space<vmem_shared>> -> memref<524416xi32, #tpu.memory_space<vmem_shared>>
    tpu.wait_indirect_dma semaphore(%arg9 : memref<!tpu.dma_semaphore, #tpu.memory_space<semaphore_mem>>) src(%dma_wait3A_662 : memref<128xi32, #tpu.memory_space<vmem>>) dst(%dma_wait3A_667 : memref<524416xi32, #tpu.memory_space<vmem_shared>>)
    %dma_wait3A_668 = arith.constant 30 : i32
    %dma_wait3A_669 = arith.constant 30 : i32
    %dma_wait3A_670 = arith.constant 0 : i32
    %dma_wait3A_671 = tpu.memref_slice %arg6[%dma_wait3A_668, %dma_wait3A_670] : memref<32x128xi32, #tpu.memory_space<vmem>> -> memref<1x128xi32, #tpu.memory_space<vmem>>
    %dma_wait3A_672 = tpu.memref_squeeze %dma_wait3A_671 : memref<1x128xi32, #tpu.memory_space<vmem>> -> memref<128xi32, #tpu.memory_space<vmem>>
    %dma_wait3A_673 = arith.constant 0 : i32
    %dma_wait3A_674 = tpu.memref_slice %arg5[%dma_wait3A_669, %dma_wait3A_673] : memref<32x128xi32, #tpu.memory_space<vmem>> -> memref<1x128xi32, #tpu.memory_space<vmem>>
    %dma_wait3A_675 = tpu.memref_squeeze %dma_wait3A_674 : memref<1x128xi32, #tpu.memory_space<vmem>> -> memref<128xi32, #tpu.memory_space<vmem>>
    %dma_wait3A_676 = arith.constant 0 : i32
    %dma_wait3A_677 = tpu.memref_slice %arg8[%dma_wait3A_676] : memref<524416xi32, #tpu.memory_space<vmem_shared>> -> memref<524416xi32, #tpu.memory_space<vmem_shared>>
    tpu.wait_indirect_dma semaphore(%arg9 : memref<!tpu.dma_semaphore, #tpu.memory_space<semaphore_mem>>) src(%dma_wait3A_672 : memref<128xi32, #tpu.memory_space<vmem>>) dst(%dma_wait3A_677 : memref<524416xi32, #tpu.memory_space<vmem_shared>>)
    %dma_wait3A_678 = arith.constant 31 : i32
    %dma_wait3A_679 = arith.constant 31 : i32
    %dma_wait3A_680 = arith.constant 0 : i32
    %dma_wait3A_681 = tpu.memref_slice %arg6[%dma_wait3A_678, %dma_wait3A_680] : memref<32x128xi32, #tpu.memory_space<vmem>> -> memref<1x128xi32, #tpu.memory_space<vmem>>
    %dma_wait3A_682 = tpu.memref_squeeze %dma_wait3A_681 : memref<1x128xi32, #tpu.memory_space<vmem>> -> memref<128xi32, #tpu.memory_space<vmem>>
    %dma_wait3A_683 = arith.constant 0 : i32
    %dma_wait3A_684 = tpu.memref_slice %arg5[%dma_wait3A_679, %dma_wait3A_683] : memref<32x128xi32, #tpu.memory_space<vmem>> -> memref<1x128xi32, #tpu.memory_space<vmem>>
    %dma_wait3A_685 = tpu.memref_squeeze %dma_wait3A_684 : memref<1x128xi32, #tpu.memory_space<vmem>> -> memref<128xi32, #tpu.memory_space<vmem>>
    %dma_wait3A_686 = arith.constant 0 : i32
    %dma_wait3A_687 = tpu.memref_slice %arg8[%dma_wait3A_686] : memref<524416xi32, #tpu.memory_space<vmem_shared>> -> memref<524416xi32, #tpu.memory_space<vmem_shared>>
    tpu.wait_indirect_dma semaphore(%arg9 : memref<!tpu.dma_semaphore, #tpu.memory_space<semaphore_mem>>) src(%dma_wait3A_682 : memref<128xi32, #tpu.memory_space<vmem>>) dst(%dma_wait3A_687 : memref<524416xi32, #tpu.memory_space<vmem_shared>>)
    %barrier3A_688 = arith.constant 0 : index
    tpu.barrier barrier_id(%barrier3A_688)
    %mul3A_689 = arith.constant 32768 : i32
    %mul3A_690 = arith.muli %arg1, %mul3A_689 : i32
    %mul3A_691 = arith.constant 32768 : i32
    %mul3A_692 = arith.muli %arg1, %mul3A_691 : i32
    %add3A_693 = arith.addi %mul3A_0, %mul3A_692 : i32
    "tpu.region"() ({
      %run_scoped3A = tpu.sem_alloc : memref<!tpu.dma_semaphore, #tpu.memory_space<semaphore_mem>>
      %dma_start3A_694 = tpu.memref_slice %arg3[%add3A_693] : memref<1048576xi32, #tpu.memory_space<hbm>> -> memref<32768xi32, #tpu.memory_space<hbm>>
      %dma_start3A_695 = tpu.memref_slice %arg8[%mul3A_690] : memref<524416xi32, #tpu.memory_space<vmem_shared>> -> memref<32768xi32, #tpu.memory_space<vmem_shared>>
      tpu.enqueue_dma source(%dma_start3A_695 : memref<32768xi32, #tpu.memory_space<vmem_shared>>) target(%dma_start3A_694 : memref<32768xi32, #tpu.memory_space<hbm>>) target_semaphore(%run_scoped3A : memref<!tpu.dma_semaphore, #tpu.memory_space<semaphore_mem>>)
      %dma_wait3A_696 = tpu.memref_slice %arg3[%add3A_693] : memref<1048576xi32, #tpu.memory_space<hbm>> -> memref<32768xi32, #tpu.memory_space<hbm>>
      %dma_wait3A_697 = tpu.memref_slice %arg8[%mul3A_690] : memref<524416xi32, #tpu.memory_space<vmem_shared>> -> memref<32768xi32, #tpu.memory_space<vmem_shared>>
      tpu.wait_dma2 semaphore(%run_scoped3A : memref<!tpu.dma_semaphore, #tpu.memory_space<semaphore_mem>>) src(%dma_wait3A_697 : memref<32768xi32, #tpu.memory_space<vmem_shared>>) dst(%dma_wait3A_696 : memref<32768xi32, #tpu.memory_space<hbm>>)
      tpu.yield
    }) : () -> ()
    return
  }
}

module attributes {stable_mosaic.version = 14 : i64} {
  func.func @_matmul_body(%arg0: i32, %arg1: memref<262144xi32, #tpu.memory_space<vmem>>, %arg2: memref<2048x512xf32, #tpu.memory_space<vmem>>, %arg3: memref<128x512xbf16, #tpu.memory_space<vmem>>, %arg4: memref<128x512xbf16, #tpu.memory_space<vmem>>, %arg5: memref<128x512xbf16, #tpu.memory_space<vmem>>, %arg6: memref<128x512xbf16, #tpu.memory_space<vmem>>) attributes {dimension_semantics = [#tpu.dimension_semantics<arbitrary>], iteration_bounds = array<i64: 4>, scalar_prefetch = 0 : i64, scratch_operands = 4 : i64, tpu.core_type = #tpu.core_type<tc>, window_params = [{transform_indices = @transform_0, window_bounds = array<i64: 262144>}, {transform_indices = @transform_1, window_bounds = array<i64: 2048, 512>}]} {
    %eq3A = arith.constant 0 : i32
    %eq3A_0 = arith.cmpi eq, %arg0, %eq3A : i32
    %convert_element_type3A = arith.extui %eq3A_0 : i1 to i32
    %cond3A = arith.constant 0 : i32
    %cond3A_1 = arith.cmpi ne, %convert_element_type3A, %cond3A : i32
    scf.if %cond3A_1 {
      %iota3A = tpu.iota {dimensions = array<i32: 0>} : vector<128x512xi32>
      %mul3A = arith.constant 4 : i32
      %mul3A_54 = vector.broadcast %mul3A : i32 to vector<128x512xi32>
      %mul3A_55 = arith.muli %iota3A, %mul3A_54 : vector<128x512xi32>
      %iota3A_56 = tpu.iota {dimensions = array<i32: 1>} : vector<128x512xi32>
      %add3A_57 = arith.constant 0 : i32
      %add3A_58 = vector.broadcast %add3A_57 : i32 to vector<128x512xi32>
      %add3A_59 = arith.addi %mul3A_55, %add3A_58 : vector<128x512xi32>
      %sub3A = arith.subi %iota3A_56, %add3A_59 : vector<128x512xi32>
      %convert_element_type3A_60 = arith.sitofp %sub3A : vector<128x512xi32> to vector<128x512xf32>
      %div3A = arith.constant 2.000000e+00 : f32
      %div3A_61 = vector.broadcast %div3A : f32 to vector<128x512xf32>
      %div3A_62 = arith.divf %convert_element_type3A_60, %div3A_61 : vector<128x512xf32>
      %mul3A_63 = arith.constant -5.000000e-01 : f32
      %mul3A_64 = vector.broadcast %mul3A_63 : f32 to vector<128x512xf32>
      %mul3A_65 = arith.mulf %mul3A_64, %div3A_62 : vector<128x512xf32>
      %mul3A_66 = arith.mulf %mul3A_65, %div3A_62 : vector<128x512xf32>
      %exp3A = math.exp %mul3A_66 : vector<128x512xf32>
      %mul3A_67 = arith.constant 0.199471146 : f32
      %mul3A_68 = vector.broadcast %mul3A_67 : f32 to vector<128x512xf32>
      %mul3A_69 = arith.mulf %exp3A, %mul3A_68 : vector<128x512xf32>
      %convert_element_type3A_70 = arith.truncf %mul3A_69 : vector<128x512xf32> to vector<128x512xbf16>
      %swap3A_71 = arith.constant 0 : index
      %swap3A_72 = arith.constant 0 : index
      %swap3A_73 = vector.load %arg3[%swap3A_71, %swap3A_72] : memref<128x512xbf16, #tpu.memory_space<vmem>>, vector<128x512xbf16>
      tpu.vector_store %arg3[%swap3A_71, %swap3A_72], %convert_element_type3A_70 {strides = array<i32>} : memref<128x512xbf16, #tpu.memory_space<vmem>>, vector<128x512xbf16>,
      %add3A_74 = arith.constant 1 : i32
      %add3A_75 = vector.broadcast %add3A_74 : i32 to vector<128x512xi32>
      %add3A_76 = arith.addi %mul3A_55, %add3A_75 : vector<128x512xi32>
      %sub3A_77 = arith.subi %iota3A_56, %add3A_76 : vector<128x512xi32>
      %convert_element_type3A_78 = arith.sitofp %sub3A_77 : vector<128x512xi32> to vector<128x512xf32>
      %div3A_79 = arith.constant 2.000000e+00 : f32
      %div3A_80 = vector.broadcast %div3A_79 : f32 to vector<128x512xf32>
      %div3A_81 = arith.divf %convert_element_type3A_78, %div3A_80 : vector<128x512xf32>
      %mul3A_82 = arith.constant -5.000000e-01 : f32
      %mul3A_83 = vector.broadcast %mul3A_82 : f32 to vector<128x512xf32>
      %mul3A_84 = arith.mulf %mul3A_83, %div3A_81 : vector<128x512xf32>
      %mul3A_85 = arith.mulf %mul3A_84, %div3A_81 : vector<128x512xf32>
      %exp3A_86 = math.exp %mul3A_85 : vector<128x512xf32>
      %mul3A_87 = arith.constant 0.199471146 : f32
      %mul3A_88 = vector.broadcast %mul3A_87 : f32 to vector<128x512xf32>
      %mul3A_89 = arith.mulf %exp3A_86, %mul3A_88 : vector<128x512xf32>
      %convert_element_type3A_90 = arith.truncf %mul3A_89 : vector<128x512xf32> to vector<128x512xbf16>
      %swap3A_91 = arith.constant 0 : index
      %swap3A_92 = arith.constant 0 : index
      %swap3A_93 = vector.load %arg4[%swap3A_91, %swap3A_92] : memref<128x512xbf16, #tpu.memory_space<vmem>>, vector<128x512xbf16>
      tpu.vector_store %arg4[%swap3A_91, %swap3A_92], %convert_element_type3A_90 {strides = array<i32>} : memref<128x512xbf16, #tpu.memory_space<vmem>>, vector<128x512xbf16>,
      %add3A_94 = arith.constant 2 : i32
      %add3A_95 = vector.broadcast %add3A_94 : i32 to vector<128x512xi32>
      %add3A_96 = arith.addi %mul3A_55, %add3A_95 : vector<128x512xi32>
      %sub3A_97 = arith.subi %iota3A_56, %add3A_96 : vector<128x512xi32>
      %convert_element_type3A_98 = arith.sitofp %sub3A_97 : vector<128x512xi32> to vector<128x512xf32>
      %div3A_99 = arith.constant 2.000000e+00 : f32
      %div3A_100 = vector.broadcast %div3A_99 : f32 to vector<128x512xf32>
      %div3A_101 = arith.divf %convert_element_type3A_98, %div3A_100 : vector<128x512xf32>
      %mul3A_102 = arith.constant -5.000000e-01 : f32
      %mul3A_103 = vector.broadcast %mul3A_102 : f32 to vector<128x512xf32>
      %mul3A_104 = arith.mulf %mul3A_103, %div3A_101 : vector<128x512xf32>
      %mul3A_105 = arith.mulf %mul3A_104, %div3A_101 : vector<128x512xf32>
      %exp3A_106 = math.exp %mul3A_105 : vector<128x512xf32>
      %mul3A_107 = arith.constant 0.199471146 : f32
      %mul3A_108 = vector.broadcast %mul3A_107 : f32 to vector<128x512xf32>
      %mul3A_109 = arith.mulf %exp3A_106, %mul3A_108 : vector<128x512xf32>
      %convert_element_type3A_110 = arith.truncf %mul3A_109 : vector<128x512xf32> to vector<128x512xbf16>
      %swap3A_111 = arith.constant 0 : index
      %swap3A_112 = arith.constant 0 : index
      %swap3A_113 = vector.load %arg5[%swap3A_111, %swap3A_112] : memref<128x512xbf16, #tpu.memory_space<vmem>>, vector<128x512xbf16>
      tpu.vector_store %arg5[%swap3A_111, %swap3A_112], %convert_element_type3A_110 {strides = array<i32>} : memref<128x512xbf16, #tpu.memory_space<vmem>>, vector<128x512xbf16>,
      %add3A_114 = arith.constant 3 : i32
      %add3A_115 = vector.broadcast %add3A_114 : i32 to vector<128x512xi32>
      %add3A_116 = arith.addi %mul3A_55, %add3A_115 : vector<128x512xi32>
      %sub3A_117 = arith.subi %iota3A_56, %add3A_116 : vector<128x512xi32>
      %convert_element_type3A_118 = arith.sitofp %sub3A_117 : vector<128x512xi32> to vector<128x512xf32>
      %div3A_119 = arith.constant 2.000000e+00 : f32
      %div3A_120 = vector.broadcast %div3A_119 : f32 to vector<128x512xf32>
      %div3A_121 = arith.divf %convert_element_type3A_118, %div3A_120 : vector<128x512xf32>
      %mul3A_122 = arith.constant -5.000000e-01 : f32
      %mul3A_123 = vector.broadcast %mul3A_122 : f32 to vector<128x512xf32>
      %mul3A_124 = arith.mulf %mul3A_123, %div3A_121 : vector<128x512xf32>
      %mul3A_125 = arith.mulf %mul3A_124, %div3A_121 : vector<128x512xf32>
      %exp3A_126 = math.exp %mul3A_125 : vector<128x512xf32>
      %mul3A_127 = arith.constant 0.199471146 : f32
      %mul3A_128 = vector.broadcast %mul3A_127 : f32 to vector<128x512xf32>
      %mul3A_129 = arith.mulf %exp3A_126, %mul3A_128 : vector<128x512xf32>
      %convert_element_type3A_130 = arith.truncf %mul3A_129 : vector<128x512xf32> to vector<128x512xbf16>
      %swap3A_131 = arith.constant 0 : index
      %swap3A_132 = arith.constant 0 : index
      %swap3A_133 = vector.load %arg6[%swap3A_131, %swap3A_132] : memref<128x512xbf16, #tpu.memory_space<vmem>>, vector<128x512xbf16>
      tpu.vector_store %arg6[%swap3A_131, %swap3A_132], %convert_element_type3A_130 {strides = array<i32>} : memref<128x512xbf16, #tpu.memory_space<vmem>>, vector<128x512xbf16>,
    } else {
    }
    %get3A = arith.constant 0 : index
    %get3A_2 = vector.load %arg1[%get3A] : memref<262144xi32, #tpu.memory_space<vmem>>, vector<262144xi32>
    %reshape3A = vector.shape_cast %get3A_2 : vector<262144xi32> to vector<2048x128xi32>
    %broadcast_in_dim3A = arith.constant 0.000000e+00 : f32
    %broadcast_in_dim3A_3 = vector.broadcast %broadcast_in_dim3A : f32 to vector<2048x512xf32>
    %shift_right_logical3A = arith.constant 0 : i32
    %shift_right_logical3A_4 = vector.broadcast %shift_right_logical3A : i32 to vector<2048x128xi32>
    %shift_right_logical3A_5 = arith.shrui %reshape3A, %shift_right_logical3A_4 : vector<2048x128xi32>
    %and3A = arith.constant 255 : i32
    %and3A_6 = vector.broadcast %and3A : i32 to vector<2048x128xi32>
    %and3A_7 = arith.andi %shift_right_logical3A_5, %and3A_6 : vector<2048x128xi32>
    %convert_element_type3A_8 = arith.sitofp %and3A_7 : vector<2048x128xi32> to vector<2048x128xbf16>
    %get3A_9 = arith.constant 0 : index
    %get3A_10 = arith.constant 0 : index
    %get3A_11 = vector.load %arg3[%get3A_9, %get3A_10] : memref<128x512xbf16, #tpu.memory_space<vmem>>, vector<128x512xbf16>
    %dot_general3A = arith.constant dense<0.000000e+00> : vector<2048x512xf32>
    %dot_general3A_12 = tpu.matmul %convert_element_type3A_8, %get3A_11, %dot_general3A {dimension_numbers = #tpu.dot_dimension_numbers<[1], [0], [0], [1], [0, 0, 1, 1], [], []>, transpose_lhs_hint = false} : vector<2048x128xbf16>, vector<128x512xbf16>, vector<2048x512xf32> -> vector<2048x512xf32>
    %add3A = arith.addf %broadcast_in_dim3A_3, %dot_general3A_12 : vector<2048x512xf32>
    %shift_right_logical3A_13 = arith.constant 8 : i32
    %shift_right_logical3A_14 = vector.broadcast %shift_right_logical3A_13 : i32 to vector<2048x128xi32>
    %shift_right_logical3A_15 = arith.shrui %reshape3A, %shift_right_logical3A_14 : vector<2048x128xi32>
    %and3A_16 = arith.constant 255 : i32
    %and3A_17 = vector.broadcast %and3A_16 : i32 to vector<2048x128xi32>
    %and3A_18 = arith.andi %shift_right_logical3A_15, %and3A_17 : vector<2048x128xi32>
    %convert_element_type3A_19 = arith.sitofp %and3A_18 : vector<2048x128xi32> to vector<2048x128xbf16>
    %get3A_20 = arith.constant 0 : index
    %get3A_21 = arith.constant 0 : index
    %get3A_22 = vector.load %arg4[%get3A_20, %get3A_21] : memref<128x512xbf16, #tpu.memory_space<vmem>>, vector<128x512xbf16>
    %dot_general3A_23 = arith.constant dense<0.000000e+00> : vector<2048x512xf32>
    %dot_general3A_24 = tpu.matmul %convert_element_type3A_19, %get3A_22, %dot_general3A_23 {dimension_numbers = #tpu.dot_dimension_numbers<[1], [0], [0], [1], [0, 0, 1, 1], [], []>, transpose_lhs_hint = false} : vector<2048x128xbf16>, vector<128x512xbf16>, vector<2048x512xf32> -> vector<2048x512xf32>
    %add3A_25 = arith.addf %add3A, %dot_general3A_24 : vector<2048x512xf32>
    %shift_right_logical3A_26 = arith.constant 16 : i32
    %shift_right_logical3A_27 = vector.broadcast %shift_right_logical3A_26 : i32 to vector<2048x128xi32>
    %shift_right_logical3A_28 = arith.shrui %reshape3A, %shift_right_logical3A_27 : vector<2048x128xi32>
    %and3A_29 = arith.constant 255 : i32
    %and3A_30 = vector.broadcast %and3A_29 : i32 to vector<2048x128xi32>
    %and3A_31 = arith.andi %shift_right_logical3A_28, %and3A_30 : vector<2048x128xi32>
    %convert_element_type3A_32 = arith.sitofp %and3A_31 : vector<2048x128xi32> to vector<2048x128xbf16>
    %get3A_33 = arith.constant 0 : index
    %get3A_34 = arith.constant 0 : index
    %get3A_35 = vector.load %arg5[%get3A_33, %get3A_34] : memref<128x512xbf16, #tpu.memory_space<vmem>>, vector<128x512xbf16>
    %dot_general3A_36 = arith.constant dense<0.000000e+00> : vector<2048x512xf32>
    %dot_general3A_37 = tpu.matmul %convert_element_type3A_32, %get3A_35, %dot_general3A_36 {dimension_numbers = #tpu.dot_dimension_numbers<[1], [0], [0], [1], [0, 0, 1, 1], [], []>, transpose_lhs_hint = false} : vector<2048x128xbf16>, vector<128x512xbf16>, vector<2048x512xf32> -> vector<2048x512xf32>
    %add3A_38 = arith.addf %add3A_25, %dot_general3A_37 : vector<2048x512xf32>
    %shift_right_logical3A_39 = arith.constant 24 : i32
    %shift_right_logical3A_40 = vector.broadcast %shift_right_logical3A_39 : i32 to vector<2048x128xi32>
    %shift_right_logical3A_41 = arith.shrui %reshape3A, %shift_right_logical3A_40 : vector<2048x128xi32>
    %and3A_42 = arith.constant 255 : i32
    %and3A_43 = vector.broadcast %and3A_42 : i32 to vector<2048x128xi32>
    %and3A_44 = arith.andi %shift_right_logical3A_41, %and3A_43 : vector<2048x128xi32>
    %convert_element_type3A_45 = arith.sitofp %and3A_44 : vector<2048x128xi32> to vector<2048x128xbf16>
    %get3A_46 = arith.constant 0 : index
    %get3A_47 = arith.constant 0 : index
    %get3A_48 = vector.load %arg6[%get3A_46, %get3A_47] : memref<128x512xbf16, #tpu.memory_space<vmem>>, vector<128x512xbf16>
    %dot_general3A_49 = arith.constant dense<0.000000e+00> : vector<2048x512xf32>
    %dot_general3A_50 = tpu.matmul %convert_element_type3A_45, %get3A_48, %dot_general3A_49 {dimension_numbers = #tpu.dot_dimension_numbers<[1], [0], [0], [1], [0, 0, 1, 1], [], []>, transpose_lhs_hint = false} : vector<2048x128xbf16>, vector<128x512xbf16>, vector<2048x512xf32> -> vector<2048x512xf32>
    %add3A_51 = arith.addf %add3A_38, %dot_general3A_50 : vector<2048x512xf32>
    %swap3A = arith.constant 0 : index
    %swap3A_52 = arith.constant 0 : index
    %swap3A_53 = vector.load %arg2[%swap3A, %swap3A_52] : memref<2048x512xf32, #tpu.memory_space<vmem>>, vector<2048x512xf32>
    tpu.vector_store %arg2[%swap3A, %swap3A_52], %add3A_51 {strides = array<i32>} : memref<2048x512xf32, #tpu.memory_space<vmem>>, vector<2048x512xf32>,
    return
  }
  func.func @transform_0(%arg0: i32) -> i32 {
    %c0_i32 = arith.constant 0 : i32
    return %arg0 : i32
  }
  func.func @transform_1(%arg0: i32) -> (i32, i32) {
    %c0_i32 = arith.constant 0 : i32
    %c0_i32_0 = arith.constant 0 : i32
    return %arg0, %c0_i32 : i32, i32
  }
}

</mosaic_0001>

<sc_bundles>
// kernel: kernel.4.cloned.1.call-start
scs
__scs_entry_jumppad:
0x0: {  	(pc) =	sbr.rel $0x88, $3  }
0x1: {  	(tag) =	ssettag $0x0;
	lr =	simm.s32 $0x1  }
0x2: {  	[smem:$0x3F9F] =	sst lr;
	_ =	strace $0xD0000000  }
0x3: {  	_ = 	snop  }
0x4: {  	_ = 	snop  }
0x5: {  	_ = 	snop  }
0x6: {  	_ = 	snop  }
0x7: {  	_ = 	snop  }
__scs_overlays_trampoline_lowered:
0x8: {  	[smem:$0x3FAE] =	sst s0  }
0x9: {  	[smem:$0x3FAF] =	sst s1  }
0xa: {  	[smem:$0x3FB0] =	sst s2  }
0xb: {  	[smem:$0x3FB1] =	sst s3  }
0xc: {  	[smem:$0x3FB2] =	sst s4  }
0xd: {  	[smem:$0x3FB3] =	sst s5  }
0xe: {  	[smem:$0x3FB4] =	sst s6  }
0xf: {  	[smem:$0x3FB5] =	sst s7  }
0x10: {  	[smem:$0x3FB6] =	sst s8  }
0x11: {  	[smem:$0x3FB7] =	sst s9;
	s0 =	simm.s32 @!p0 $0x0  }
0x12: {  	s1 =	sld [smem:$0x3F9D];
	s0 =	simm.s32 @p0 $0x1  }
0x13: {  	[smem:$0x3FB8] =	sst s0;
	s0 =	simm.s32 @!p1 $0x0  }
0x14: {  	s2 =	sld [smem:$0x3F9C];
	s0 =	simm.s32 @p1 $0x1  }
0x15: {  	[smem:$0x3FB9] =	sst s0;
	s0 =	simm.s32 @!p2 $0x0  }
0x16: {  	s3 =	sld [smem:$0x3FDB];
	s0 =	simm.s32 @p2 $0x1  }
0x17: {  	s4 =	simm.s32 $0x1BF5;
	[smem:$0x3FBB] =	sst s0  }
0x18: {  	s0 =	sld [smem:$0x3F9E];
	_ =	swait.ge [sflag:s4], $0x0  }
0x19: {  	s7 =	sld [smem:$0x3F9F]  }
0x1a: {  	s8 =	sadd.s32 $0xFFFFE003, lr  }
0x1b: {  	s9 =	sadd.s32 $0xFFFFFEF7, lr;
	s5 =	simm.s32 $0xFFFFFFFF;
	p2 =	slt.u32 s8, $0xFFFFF086  }
0x1c: {  	p1 =	slt.u32 s9, $0xF7A;
	s5 =	simm.s32 @!p2 $0x0  }
0x1d: {  	s5 =	simm.s32 @p1 $0x1;
	p0 =	seq.s32 s7, s2  }
0x1e: {  	s7 =	smul.u32 @!p0 $0xF7A, s2;
	p2 =	seq.s32 @!p0 s5, $0x0  }
0x1f: {  	s9 =	smul.u32 $0xF7A, s1;
	s8 =	simm.s32 @!p0 $0x1BF5;
	p2 =	por !p2, p0  }
0x20: {  	[sflag:s8] =	ssyncset.s32 @!p0 $0xFFFFF086;
	s6 =	sadd.s32 @!p0 s3, s7;
	s7 =	simm.s32 @!p0 $0x108  }
0x21: {  	s3 =	sadd.s32 s3, s9;
	s6 =	sadd.s32 @!p0 $0x88, s6;
	s7 =	simm.s32 @p2 $0x1082  }
0x22: {  	[simem:s7], [sflag:s8] =	dma.local @!p0 [hbm:s6], $0xF7A  }
0x23: {  	s9 =	sor.u32 $0xD0000000, s2;
	s6 =	simm.s32 $0x108;
	_ =	swait.ge @!p0 [sflag:s8], $0x0  }
0x24: {  	s3 =	sadd.s32 $0x88, s3;
	s6 =	simm.s32 @!p1 $0x1082;
	[sflag:s4] =	ssyncset.s32 $0xFFFFF086  }
0x25: {  	[simem:s6], [sflag:s4] =	dma.local [hbm:s3], $0xF7A  }
0x26: {  	[smem:$0x3F9F] =	sst s1;
	(tag) =	ssettag s2;
	_ =	strace s9  }
0x27: {  	s1 =	sld [smem:$0x3FAF]  }
0x28: {  	s2 =	sld [smem:$0x3FB0]  }
0x29: {  	s4 =	sld [smem:$0x3FB2]  }
0x2a: {  	p0 =	seq.s32 s5, $0x0;
	s5 =	sld [smem:$0x3FB3]  }
0x2b: {  	s6 =	sld [smem:$0x3FB4]  }
0x2c: {  	s7 =	sld [smem:$0x3FB5]  }
0x2d: {  	s3 =	simm.s32 $0x108;
	s8 =	sld [smem:$0x3FB6]  }
0x2e: {  	s3 =	simm.s32 @!p0 $0x1082;
	s9 =	sld [smem:$0x3FB7]  }
0x2f: {  	lr =	sadd.s32 s0, s3;
	s0 =	sld [smem:$0x3FAE]  }
0x30: {  	s3 =	sld [smem:$0x3FB1]  }
0x31: {  	[smem:$0x3FBA] =	sst s10  }
0x32: {  	s10 =	sld [smem:$0x3FB8];
	_ =	sdelay $0x3  }
0x33: {  	p0 =	seq.s32 s10, $0x1;
	s10 =	sld [smem:$0x3FBA];
	_ =	sdelay $0x3  }
0x34: {  	[smem:$0x3FBA] =	sst s10  }
0x35: {  	s10 =	sld [smem:$0x3FB9];
	_ =	sdelay $0x3  }
0x36: {  	p1 =	seq.s32 s10, $0x1;
	s10 =	sld [smem:$0x3FBA];
	_ =	sdelay $0x3  }
0x37: {  	[smem:$0x3FBA] =	sst s10  }
0x38: {  	s10 =	sld [smem:$0x3FBB]  }
0x39: {  	_ = 	snop;
	(pc) =	sbr.ind lr, $3  }
0x3a: {  	_ = 	snop  }
0x3b: {  	_ = 	snop  }
0x3c: {  	p2 =	seq.s32 s10, $0x1;
	s10 =	sld [smem:$0x3FBA]  }
0x3d: {  	_ =	shalt  }
0x3e: {  	_ =	shalt  }
0x3f: {  	_ =	shalt  }
0x40: {  	_ =	shalt  }
0x41: {  	_ =	shalt  }
0x42: {  	_ =	shalt  }
0x43: {  	_ =	shalt  }
0x44: {  	_ =	shalt  }
0x45: {  	_ =	shalt  }
0x46: {  	_ =	shalt  }
0x47: {  	_ =	shalt  }
0x48: {  	_ =	shalt  }
0x49: {  	_ =	shalt  }
0x4a: {  	_ =	shalt  }
0x4b: {  	_ =	shalt  }
0x4c: {  	_ =	shalt  }
0x4d: {  	_ =	shalt  }
0x4e: {  	_ =	shalt  }
0x4f: {  	_ =	shalt  }
0x50: {  	_ =	shalt  }
0x51: {  	_ =	shalt  }
0x52: {  	_ =	shalt  }
0x53: {  	_ =	shalt  }
0x54: {  	_ =	shalt  }
0x55: {  	_ =	shalt  }
0x56: {  	_ =	shalt  }
0x57: {  	_ =	shalt  }
0x58: {  	_ =	shalt  }
0x59: {  	_ =	shalt  }
0x5a: {  	_ =	shalt  }
0x5b: {  	_ =	shalt  }
0x5c: {  	_ =	shalt  }
0x5d: {  	_ =	shalt  }
0x5e: {  	_ =	shalt  }
0x5f: {  	_ =	shalt  }
0x60: {  	_ =	shalt  }
0x61: {  	_ =	shalt  }
0x62: {  	_ =	shalt  }
0x63: {  	_ =	shalt  }
0x64: {  	_ =	shalt  }
0x65: {  	_ =	shalt  }
0x66: {  	_ =	shalt  }
0x67: {  	_ =	shalt  }
0x68: {  	_ =	shalt  }
0x69: {  	_ =	shalt  }
0x6a: {  	_ =	shalt  }
0x6b: {  	_ =	shalt  }
0x6c: {  	_ =	shalt  }
0x6d: {  	_ =	shalt  }
0x6e: {  	_ =	shalt  }
0x6f: {  	_ =	shalt  }
0x70: {  	_ =	shalt  }
0x71: {  	_ =	shalt  }
0x72: {  	_ =	shalt  }
0x73: {  	_ =	shalt  }
0x74: {  	_ =	shalt  }
0x75: {  	_ =	shalt  }
0x76: {  	_ =	shalt  }
0x77: {  	_ =	shalt  }
0x78: {  	_ =	shalt  }
0x79: {  	_ =	shalt  }
0x7a: {  	_ =	shalt  }
0x7b: {  	_ =	shalt  }
0x7c: {  	_ =	shalt  }
0x7d: {  	_ =	shalt  }
0x7e: {  	_ =	shalt  }
0x7f: {  	_ =	shalt  }
0x80: {  	_ =	shalt  }
0x81: {  	_ =	shalt  }
0x82: {  	_ =	shalt  }
0x83: {  	_ =	shalt  }
0x84: {  	_ =	shalt  }
0x85: {  	_ =	shalt  }
0x86: {  	_ =	shalt  }
0x87: {  	_ =	shalt  }
.Lfunc_end0:
.L_simem_size_0:
called_computation_lowered:
.L_overlay_start_0:
0x88: {  	s2 =	sld [smem:$0x3FD9]  }
0x89: {  	s3 =	sld [smem:$0x3FFE];
	_ =	sdelay $0x1  }
0x8a: {  	s1 =	srdreg.scid  }
0x8b: {  	s0 =	sand.u32 $0x1, s1  }
0x8c: {  	s17 =	sshll.u32 s0, $0xA;
	s2 =	sadd.s32 s3, s2  }
0x8d: {  	s2 =	sadd.s32 s2, s17  }
0x8e: {  	[smem:$0x3FC6] =	sst s2  }
0x8f: {  	_ = 	snop  }
0x90: {  	s2 =	sld [smem:$0x3FD0];
	(tm) =	ssettm $0x1  }
0x91: {  	s18 =	sld [smem:$0x3FFB];
	_ =	sdelay $0x3  }
0x92: {  	_ =	strace s18  }
0x93: {  	s3 =	sld [smem:$0x3FFC];
	_ =	sdelay $0x3  }
0x94: {  	_ =	strace s3  }
0x95: {  	s3 =	sld [smem:$0x3FFD];
	_ =	sdelay $0x3  }
0x96: {  	_ =	strace s3  }
0x97: {  	_ =	strace $0x8FFFFFFF  }
0x98: {  	s19 =	sld [smem:$0x3FDB];
	_ =	sdelay $0x1  }
0x99: {  	s4 =	simm.s32 $_scs_section_size  }
0x9a: {  	s5 =	simm.s32 $_size__tile_overlayer_lowered;
	s6 =	simm.s32 $_tile_overlayer_lowered  }
0x9b: {  	s22 =	simm.s32 $0x1BFF;
	s21 =	sshll.u32 s6, $0x1;
	s3 =	sadd.s32 s4, s19  }
0x9c: {  	s7 =	simm.s32 $0x0;
	s20 =	sshll.u32 s5, $0x1;
	s5 =	sadd.s32 s21, s3  }
0x9d: {  	[timem:s7], [sflag:s22] =	dma.local [hbm:s5], s20  }
0x9e: {  	_ =	swait.ge [sflag:s22], s20  }
0x9f: {  	s4 =	ssub.s32 $0x0, s20;
	[sflag:s22] =	ssyncset.done $0x0  }
0xa0: {  	[sflag:s22] =	ssyncadd.s32 s4;
	_ =	sdelay $0x1  }
0xa1: {  	s23 =	simm.s32 $0x1B8B  }
0xa2: {  	_ =	swait.ge [sflag:s23], $0x1  }
0xa3: {  	[sflag:s23] =	ssyncset.done $0x0  }
0xa4: {  	s25 =	simm.s32 $0x1B8E;
	s24 =	sld [smem:$0x3FFE];
	[sflag:s23] =	ssyncadd.s32 $0xFFFFFFFF  }
0xa5: {  	s26 =	simm.s32 $execute0_lowered;
	[smem:$0x3FD2] =	sst s25  }
0xa6: {  	s5 =	sshll.u32 s26, $0x1;
	_ =	strace $0x80000046;
	[dreg:$0x1] =	wrdreg $0xFFFFFFFF  }
0xa7: {  	s28 =	simm.s32 $_size_execute0_lowered;
	s3 =	sadd.s32 s3, s5;
	[dreg:$0x0] =	wrdreg $0x0  }
0xa8: {  	s5 =	sshll.u32 s28, $0x1;
	[dreg:$0x2] =	wrdreg s3  }
0xa9: {  	[dreg:$0x3] =	wrdreg s5  }
0xaa: {  	[dreg:$0x4] =	wrdreg $0xC0  }
0xab: {  	_ =	task [dreg:s7], $0x5FFFF  }
0xac: {  	[dreg:$0x1] =	wrdreg $0xFFFFFFFF  }
0xad: {  	[dreg:$0x0] =	wrdreg $0x60  }
0xae: {  	[dreg:$0x2] =	wrdreg s24  }
0xaf: {  	[dreg:$0x3] =	wrdreg s2  }
0xb0: {  	[dreg:$0x4] =	wrdreg $0x50000  }
0xb1: {  	[dreg:$0x5] =	wrdreg $0x9  }
0xb2: {  	_ =	task.clear_ibuf [dreg:s7], $0x6FFFF;
	_ =	strace $0x90000046  }
0xb3: {  	s29 =	simm.s32 $0x9;
	_ =	strace $0x80000048  }
0xb4: {  	_ =	swait.ge [sflag:s29], $0x1  }
0xb5: {  	[sflag:s29] =	ssyncadd.s32 $0xFFFFFFFF  }
0xb6: {  	_ =	strace $0x90000048  }
0xb7: {  	_ =	sfence  }
0xb8: {  	s30 =	sld [smem:$0x0];
	_ =	sdelay $0x2  }
0xb9: {  	s31 =	sshll.u32 s1, $0xD;
	s1 =	sshrl.u32 s1, $0x2  }
0xba: {  	s3 =	sand.u32 $0x4000, s31;
	s1 =	sadd.s32 s1, s30  }
0xbb: {  	s0 =	sor.u32 s3, s0;
	s1 =	sshll.u32 s1, $0x11  }
0xbc: {  	s0 =	sor.u32 s1, s0  }
0xbd: {  	s0 =	sadd.s32 $0x8F2B, s0  }
0xbe: {  	[sflag:s0] =	ssyncadd.remote.s32 $0x1  }
0xbf: {  	_ =	sfence.sel $0xFFFF  }
0xc0: {  	[dreg:$0x0] =	wrdreg $0xFFFFFFFF;
	(pc) =	sbr.abs _section_cstart, $3  }
0xc1: {  	[dreg:$0x1] =	wrdreg $0xFFFFFFFF  }
0xc2: {  	_ =	task.clear_ibuf [dreg:s7], $0x2FFFF;
	_ =	strace $0x9FFFFFFF  }
0xc3: {  	(tm) =	ssettm $0x7FFFFFFF  }
tec
execute0_lowered:
.L_overlay_start_1:
0x0: {  	(tag) =	ssettag $0x1  }
0x1: {  	s0 =	rddreg [dreg:$0x0]  }
0x2: {  	s3 =	rddreg [dreg:$0x1]  }
0x3: {  	s1 =	rddreg [dreg:$0x2]  }
0x4: {  	s4 =	simm.s32 $0x0;
	s2 =	srdreg.scid;
	s6 =	stileid.u32  }
0x5: {  	s11 =	simm.s32 $0x3000;
	s12 =	simm.s32 $0x1;
	s13 =	simm.s32 $0x2  }
0x6: {  	s14 =	simm.s32 $0x80;
	s15 =	simm.s32 $0x1E00;
	s16 =	simm.s32 $0x2E00  }
0x7: {  	s17 =	simm.s32 $0x1E80;
	s18 =	simm.s32 $0x2E80;
	s19 =	simm.s32 $0x1F00  }
0x8: {  	s20 =	simm.s32 $0x1F80;
	s21 =	simm.s32 $0x2F80;
	s22 =	simm.s32 $0x3  }
0x9: {  	s23 =	simm.s32 $0x0;
	[smem:$0x7FF] =	sst s4;
	s2 =	sand.u32 $0x1, s2  }
0xa: {  	s29 =	sshll.u32 s6, $0x9;
	s7 =	sshll.u32 s6, $0xF;
	_ =	strace $0x80000047  }
0xb: {  	s5 =	ssub.s32 $0x2, s2;
	s0 =	sadd.s32 s29, s0;
	s4 =	sadd.s32 s7, s1  }
0xc: {  	s2 =	sshll.u32 s2, $0x13;
	s30 =	sshrl.u32 s5, $0x1;
	s6 =	sadd.s32 $0x2000, s4  }
0xd: {  	s31 =	sor.u32 s7, s2;
	s7 =	sadd.s32 $0x4000, s4;
	s8 =	sadd.s32 $0x6000, s4  }
0xe: {  	v1 =	vimm.s32 $0x0;
	s10 =	ssub.s32 s5, s30;
	s5 =	sadd.s32 $0x800, s0;
	s0 =	sshrl.u32 s31, $0x3  }
0xf: {  	v2 =	vlaneseq.u32;
	v3 =	vimm.s32 $0x1;
	v0 =	vmov s2;
	s2 =	simm.s32 $0x2F00;
	s9 =	sadd.s32 s3, s0;
	s10 =	smax.u32 s10, $0x1  }
.LBB2_1:
0x10: {  	s0 =	simm.s32 $0x0  }
0x11: {  	[tilespmem:s0], [sflag:$0x1] =	stream.linear.gather [hbm4b:s5+s0], $0x1000, $0x38;
	[tilespmem:$0xD008] =	vst v63  }
0x12: {  	s3 =	simm.s32 $0x0;
	s0 =	simm.s32 $0x40  }
.LBB2_2:
0x13: {  	p0 =	sne.s32 s0, $0x7FC0;
	[tilespmem:s3+$0x3000] =	vst v1;
	s3 =	smov.u32 s0;
	s0 =	sadd.s32 $0x40, s0  }
.Ltmp0:
0x14: {  	(pc) =	sbr.rel @p0 .LBB2_2-.Ltmp0, $2  }
0x15: {  	_ =	sdelay $0x2  }
0x16: {  	s3 =	sshra.s32 s3, $0x2  }
0x17: {  	[tilespmem:s3+$0x3000] =	vst v1  }
0x18: {  	[spmem:s4] =	stream.linear.scatter [tilespmem:s11], [sflag:$0x2], $0x2000, $0x38;
	[tilespmem:$0xD008] =	vst v63  }
0x19: {  	_ = 	snop  }
0x1a: {  	[spmem:s6] =	stream.linear.scatter [tilespmem:s11], [sflag:$0x2], $0x2000, $0x38;
	[tilespmem:$0xD008] =	vst v63  }
0x1b: {  	_ = 	snop  }
0x1c: {  	[spmem:s7] =	stream.linear.scatter [tilespmem:s11], [sflag:$0x2], $0x2000, $0x38;
	[tilespmem:$0xD008] =	vst v63  }
0x1d: {  	_ = 	snop  }
0x1e: {  	[spmem:s8] =	stream.linear.scatter [tilespmem:s11], [sflag:$0x2], $0x2000, $0x38;
	[tilespmem:$0xD008] =	vst v63  }
0x1f: {  	_ =	swait.ge [sflag:s12], $0x1000  }
0x20: {  	s24 =	simm.s32 $0x0;
	s30 =	simm.s32 $0x1000;
	[sflag:s12] =	ssyncset.done $0x0  }
0x21: {  	s29 =	simm.s32 $0x2000;
	s28 =	simm.s32 $0x0;
	[sflag:s12] =	ssyncadd.s32 $0xFFFFF000  }
.LBB2_4:
0x22: {  	v4 =	vld [tilespmem:s24+$0x0];
	_ =	sdelay $0x4  }
0x23: {  	v5 =	vshra.s32 v4, $0x2  }
0x24: {  	s0 =	simm.s32 $0x80000;
	v5 =	vsub.s32 v5, v0  }
0x25: {  	v6 =	vor.u32 s0, v2;
	v4 =	vshll.u32 v4, $0x3;
	vm0 =	vlt.u32 v5, $0x80000  }
0x26: {  	v4 =	vand.u32 $0x18, v4;
	v5 =	vsel vm0, v5, v6  }
0x27: {  	v4 =	vshll.u32 v3, v4;
	[tilespmem:s30+$0x0] =	vst v5  }
0x28: {  	s0 =	sadd.s32 $0x10, s24;
	[tilespmem:s29+$0x0] =	vst v4  }
0x29: {  	s31 =	simm.s32 $0x80010;
	v4 =	vld [tilespmem:s0+$0x0]  }
0x2a: {  	s3 =	simm.s32 $0x80020;
	s25 =	smov.u32 s30;
	s26 =	smov.u32 s29  }
.LBB2_5:
0x2b: {  	p0 =	sne.s32 s3, $0x80070;
	_ =	sdelay $0x2  }
0x2c: {  	v5 =	vshra.s32 v4, $0x2;
	v4 =	vshll.u32 v4, $0x3  }
0x2d: {  	v5 =	vsub.s32 v5, v0  }
0x2e: {  	v6 =	vor.u32 s31, v2;
	s31 =	smov.u32 s3;
	vm0 =	vlt.u32 v5, $0x80000  }
.Ltmp1:
0x2f: {  	s25 =	sadd.s32 $0x10, s25;
	v4 =	vand.u32 $0x18, v4;
	v5 =	vsel vm0, v5, v6;
	(pc) =	sbr.rel @p0 .LBB2_5-.Ltmp1, $4  }
0x30: {  	s26 =	sadd.s32 $0x10, s26;
	v4 =	vshll.u32 v3, v4;
	[tilespmem:s25+$0x0] =	vst v5  }
0x31: {  	s0 =	sadd.s32 $0x10, s0;
	[tilespmem:s26+$0x0] =	vst v4  }
0x32: {  	v4 =	vld [tilespmem:s0+$0x0]  }
0x33: {  	s3 =	sadd.s32 $0x10, s3  }
0x34: {  	_ =	sdelay $0x1  }
0x35: {  	s28 =	sadd.s32 $0x1, s28  }
0x36: {  	p0 =	sne.s32 s28, $0x20;
	v5 =	vshra.s32 v4, $0x2  }
.Ltmp2:
0x37: {  	v5 =	vsub.s32 v5, v0;
	(pc) =	sbr.rel @p0 .LBB2_4-.Ltmp2, $4  }
0x38: {  	v6 =	vor.u32 s31, v2;
	v4 =	vshll.u32 v4, $0x3;
	vm0 =	vlt.u32 v5, $0x80000  }
0x39: {  	s0 =	sadd.s32 $0x10, s25;
	v4 =	vand.u32 $0x18, v4;
	v5 =	vsel vm0, v5, v6  }
0x3a: {  	s31 =	sadd.s32 $0x10, s26;
	v4 =	vshll.u32 v3, v4;
	[tilespmem:s0+$0x0] =	vst v5  }
0x3b: {  	s30 =	sadd.s32 $0x80, s30;
	s29 =	sadd.s32 $0x80, s29;
	s24 =	sadd.s32 $0x80, s24;
	[tilespmem:s31+$0x0] =	vst v4  }
0x3c: {  	_ =	swait.ge [sflag:s13], $0x2000  }
0x3d: {  	[sflag:s13] =	ssyncset.done $0x0  }
0x3e: {  	[sflag:s13] =	ssyncadd.s32 $0xFFFFE000  }
0x3f: {  	_ =	swait.ge [sflag:s13], $0x2000  }
0x40: {  	[sflag:s13] =	ssyncset.done $0x0  }
0x41: {  	[sflag:s13] =	ssyncadd.s32 $0xFFFFE000  }
0x42: {  	_ =	swait.ge [sflag:s13], $0x2000  }
0x43: {  	[sflag:s13] =	ssyncset.done $0x0  }
0x44: {  	[sflag:s13] =	ssyncadd.s32 $0xFFFFE000  }
0x45: {  	_ =	swait.ge [sflag:s13], $0x2000  }
0x46: {  	[sflag:s13] =	ssyncset.done $0x0  }
0x47: {  	[sflag:s13] =	ssyncadd.s32 $0xFFFFE000  }
0x48: {  	s0 =	simm.s32 $0x1000;
	s3 =	simm.s32 $0x2000;
	[bflag:$0x0] =	sbarrier.arrive $0xFFFF  }
0x49: {  	[spmem:s1] =	stream.indirect.scatter.add.s32 [tilespmem:s3], [sflag:$0x1], $0x1, s0, s14, $0xb8;
	[tilespmem:$0xD008] =	vst v63  }
0x4a: {  	s24 =	simm.s32 $0x2080;
	s3 =	simm.s32 $0x1080  }
0x4b: {  	[spmem:s1] =	stream.indirect.scatter.add.s32 [tilespmem:s24], [sflag:$0x1], $0x1, s3, s14, $0xb8;
	[tilespmem:$0xD008] =	vst v63  }
0x4c: {  	s25 =	simm.s32 $0x1100;
	s26 =	simm.s32 $0x2100  }
0x4d: {  	[spmem:s1] =	stream.indirect.scatter.add.s32 [tilespmem:s26], [sflag:$0x1], $0x1, s25, s14, $0xb8;
	[tilespmem:$0xD008] =	vst v63  }
0x4e: {  	s28 =	simm.s32 $0x1180;
	s29 =	simm.s32 $0x2180  }
0x4f: {  	[spmem:s1] =	stream.indirect.scatter.add.s32 [tilespmem:s29], [sflag:$0x1], $0x1, s28, s14, $0xb8;
	[tilespmem:$0xD008] =	vst v63  }
0x50: {  	s30 =	simm.s32 $0x1200;
	s31 =	simm.s32 $0x2200  }
0x51: {  	[spmem:s1] =	stream.indirect.scatter.add.s32 [tilespmem:s31], [sflag:$0x1], $0x1, s30, s14, $0xb8;
	[tilespmem:$0xD008] =	vst v63  }
0x52: {  	s3 =	simm.s32 $0x1280;
	s24 =	simm.s32 $0x2280  }
0x53: {  	[spmem:s1] =	stream.indirect.scatter.add.s32 [tilespmem:s24], [sflag:$0x1], $0x1, s3, s14, $0xb8;
	[tilespmem:$0xD008] =	vst v63  }
0x54: {  	s25 =	simm.s32 $0x1300;
	s26 =	simm.s32 $0x2300  }
0x55: {  	[spmem:s1] =	stream.indirect.scatter.add.s32 [tilespmem:s26], [sflag:$0x1], $0x1, s25, s14, $0xb8;
	[tilespmem:$0xD008] =	vst v63  }
0x56: {  	s28 =	simm.s32 $0x1380;
	s29 =	simm.s32 $0x2380  }
0x57: {  	[spmem:s1] =	stream.indirect.scatter.add.s32 [tilespmem:s29], [sflag:$0x1], $0x1, s28, s14, $0xb8;
	[tilespmem:$0xD008] =	vst v63  }
0x58: {  	s30 =	simm.s32 $0x1400;
	s31 =	simm.s32 $0x2400  }
0x59: {  	[spmem:s1] =	stream.indirect.scatter.add.s32 [tilespmem:s31], [sflag:$0x1], $0x1, s30, s14, $0xb8;
	[tilespmem:$0xD008] =	vst v63  }
0x5a: {  	s3 =	simm.s32 $0x1480;
	s24 =	simm.s32 $0x2480  }
0x5b: {  	[spmem:s1] =	stream.indirect.scatter.add.s32 [tilespmem:s24], [sflag:$0x1], $0x1, s3, s14, $0xb8;
	[tilespmem:$0xD008] =	vst v63  }
0x5c: {  	s25 =	simm.s32 $0x1500;
	s26 =	simm.s32 $0x2500  }
0x5d: {  	[spmem:s1] =	stream.indirect.scatter.add.s32 [tilespmem:s26], [sflag:$0x1], $0x1, s25, s14, $0xb8;
	[tilespmem:$0xD008] =	vst v63  }
0x5e: {  	s28 =	simm.s32 $0x1580;
	s29 =	simm.s32 $0x2580  }
0x5f: {  	[spmem:s1] =	stream.indirect.scatter.add.s32 [tilespmem:s29], [sflag:$0x1], $0x1, s28, s14, $0xb8;
	[tilespmem:$0xD008] =	vst v63  }
0x60: {  	s30 =	simm.s32 $0x1600;
	s31 =	simm.s32 $0x2600  }
0x61: {  	[spmem:s1] =	stream.indirect.scatter.add.s32 [tilespmem:s31], [sflag:$0x1], $0x1, s30, s14, $0xb8;
	[tilespmem:$0xD008] =	vst v63  }
0x62: {  	s3 =	simm.s32 $0x1680;
	s24 =	simm.s32 $0x2680  }
0x63: {  	[spmem:s1] =	stream.indirect.scatter.add.s32 [tilespmem:s24], [sflag:$0x1], $0x1, s3, s14, $0xb8;
	[tilespmem:$0xD008] =	vst v63  }
0x64: {  	s25 =	simm.s32 $0x1700;
	s26 =	simm.s32 $0x2700  }
0x65: {  	[spmem:s1] =	stream.indirect.scatter.add.s32 [tilespmem:s26], [sflag:$0x1], $0x1, s25, s14, $0xb8;
	[tilespmem:$0xD008] =	vst v63  }
0x66: {  	s28 =	simm.s32 $0x1780;
	s29 =	simm.s32 $0x2780  }
0x67: {  	[spmem:s1] =	stream.indirect.scatter.add.s32 [tilespmem:s29], [sflag:$0x1], $0x1, s28, s14, $0xb8;
	[tilespmem:$0xD008] =	vst v63  }
0x68: {  	s30 =	simm.s32 $0x1800;
	s31 =	simm.s32 $0x2800  }
0x69: {  	[spmem:s1] =	stream.indirect.scatter.add.s32 [tilespmem:s31], [sflag:$0x1], $0x1, s30, s14, $0xb8;
	[tilespmem:$0xD008] =	vst v63  }
0x6a: {  	s3 =	simm.s32 $0x1880;
	s24 =	simm.s32 $0x2880  }
0x6b: {  	[spmem:s1] =	stream.indirect.scatter.add.s32 [tilespmem:s24], [sflag:$0x1], $0x1, s3, s14, $0xb8;
	[tilespmem:$0xD008] =	vst v63  }
0x6c: {  	s25 =	simm.s32 $0x1900;
	s26 =	simm.s32 $0x2900  }
0x6d: {  	[spmem:s1] =	stream.indirect.scatter.add.s32 [tilespmem:s26], [sflag:$0x1], $0x1, s25, s14, $0xb8;
	[tilespmem:$0xD008] =	vst v63  }
0x6e: {  	s28 =	simm.s32 $0x1980;
	s29 =	simm.s32 $0x2980  }
0x6f: {  	[spmem:s1] =	stream.indirect.scatter.add.s32 [tilespmem:s29], [sflag:$0x1], $0x1, s28, s14, $0xb8;
	[tilespmem:$0xD008] =	vst v63  }
0x70: {  	s30 =	simm.s32 $0x1A00;
	s31 =	simm.s32 $0x2A00  }
0x71: {  	[spmem:s1] =	stream.indirect.scatter.add.s32 [tilespmem:s31], [sflag:$0x1], $0x1, s30, s14, $0xb8;
	[tilespmem:$0xD008] =	vst v63  }
0x72: {  	s3 =	simm.s32 $0x1A80;
	s24 =	simm.s32 $0x2A80  }
0x73: {  	[spmem:s1] =	stream.indirect.scatter.add.s32 [tilespmem:s24], [sflag:$0x1], $0x1, s3, s14, $0xb8;
	[tilespmem:$0xD008] =	vst v63  }
0x74: {  	s25 =	simm.s32 $0x1B00;
	s26 =	simm.s32 $0x2B00  }
0x75: {  	[spmem:s1] =	stream.indirect.scatter.add.s32 [tilespmem:s26], [sflag:$0x1], $0x1, s25, s14, $0xb8;
	[tilespmem:$0xD008] =	vst v63  }
0x76: {  	s28 =	simm.s32 $0x1B80;
	s29 =	simm.s32 $0x2B80  }
0x77: {  	[spmem:s1] =	stream.indirect.scatter.add.s32 [tilespmem:s29], [sflag:$0x1], $0x1, s28, s14, $0xb8;
	[tilespmem:$0xD008] =	vst v63  }
0x78: {  	s30 =	simm.s32 $0x1C00;
	s31 =	simm.s32 $0x2C00  }
0x79: {  	[spmem:s1] =	stream.indirect.scatter.add.s32 [tilespmem:s31], [sflag:$0x1], $0x1, s30, s14, $0xb8;
	[tilespmem:$0xD008] =	vst v63  }
0x7a: {  	s3 =	simm.s32 $0x1C80;
	s24 =	simm.s32 $0x2C80  }
0x7b: {  	[spmem:s1] =	stream.indirect.scatter.add.s32 [tilespmem:s24], [sflag:$0x1], $0x1, s3, s14, $0xb8;
	[tilespmem:$0xD008] =	vst v63  }
0x7c: {  	s25 =	simm.s32 $0x1D00;
	s26 =	simm.s32 $0x2D00  }
0x7d: {  	[spmem:s1] =	stream.indirect.scatter.add.s32 [tilespmem:s26], [sflag:$0x1], $0x1, s25, s14, $0xb8;
	[tilespmem:$0xD008] =	vst v63  }
0x7e: {  	s28 =	simm.s32 $0x1D80;
	s29 =	simm.s32 $0x2D80  }
0x7f: {  	[spmem:s1] =	stream.indirect.scatter.add.s32 [tilespmem:s29], [sflag:$0x1], $0x1, s28, s14, $0xb8;
	[tilespmem:$0xD008] =	vst v63  }
0x80: {  	_ = 	snop  }
0x81: {  	[spmem:s1] =	stream.indirect.scatter.add.s32 [tilespmem:s16], [sflag:$0x1], $0x1, s15, s14, $0xb8;
	[tilespmem:$0xD008] =	vst v63  }
0x82: {  	_ = 	snop  }
0x83: {  	[spmem:s1] =	stream.indirect.scatter.add.s32 [tilespmem:s18], [sflag:$0x1], $0x1, s17, s14, $0xb8;
	[tilespmem:$0xD008] =	vst v63  }
0x84: {  	_ = 	snop  }
0x85: {  	[spmem:s1] =	stream.indirect.scatter.add.s32 [tilespmem:s2], [sflag:$0x1], $0x1, s19, s14, $0xb8;
	[tilespmem:$0xD008] =	vst v63  }
0x86: {  	_ = 	snop  }
0x87: {  	[spmem:s1] =	stream.indirect.scatter.add.s32 [tilespmem:s21], [sflag:$0x1], $0x1, s20, s14, $0xb8;
	[tilespmem:$0xD008] =	vst v63  }
0x88: {  	_ =	swait.ge [sflag:s12], $0x80  }
0x89: {  	[sflag:s12] =	ssyncset.done $0x0  }
0x8a: {  	[sflag:s12] =	ssyncadd.s32 $0xFFFFFF80  }
0x8b: {  	_ =	swait.ge [sflag:s12], $0x80  }
0x8c: {  	[sflag:s12] =	ssyncset.done $0x0  }
0x8d: {  	[sflag:s12] =	ssyncadd.s32 $0xFFFFFF80  }
0x8e: {  	_ =	swait.ge [sflag:s12], $0x80  }
0x8f: {  	[sflag:s12] =	ssyncset.done $0x0  }
0x90: {  	[sflag:s12] =	ssyncadd.s32 $0xFFFFFF80  }
0x91: {  	_ =	swait.ge [sflag:s12], $0x80  }
0x92: {  	[sflag:s12] =	ssyncset.done $0x0  }
0x93: {  	[sflag:s12] =	ssyncadd.s32 $0xFFFFFF80  }
0x94: {  	_ =	swait.ge [sflag:s12], $0x80  }
0x95: {  	[sflag:s12] =	ssyncset.done $0x0  }
0x96: {  	[sflag:s12] =	ssyncadd.s32 $0xFFFFFF80  }
0x97: {  	_ =	swait.ge [sflag:s12], $0x80  }
0x98: {  	[sflag:s12] =	ssyncset.done $0x0  }
0x99: {  	[sflag:s12] =	ssyncadd.s32 $0xFFFFFF80  }
0x9a: {  	_ =	swait.ge [sflag:s12], $0x80  }
0x9b: {  	[sflag:s12] =	ssyncset.done $0x0  }
0x9c: {  	[sflag:s12] =	ssyncadd.s32 $0xFFFFFF80  }
0x9d: {  	_ =	swait.ge [sflag:s12], $0x80  }
0x9e: {  	[sflag:s12] =	ssyncset.done $0x0  }
0x9f: {  	[sflag:s12] =	ssyncadd.s32 $0xFFFFFF80  }
0xa0: {  	_ =	swait.ge [sflag:s12], $0x80  }
0xa1: {  	[sflag:s12] =	ssyncset.done $0x0  }
0xa2: {  	[sflag:s12] =	ssyncadd.s32 $0xFFFFFF80  }
0xa3: {  	_ =	swait.ge [sflag:s12], $0x80  }
0xa4: {  	[sflag:s12] =	ssyncset.done $0x0  }
0xa5: {  	[sflag:s12] =	ssyncadd.s32 $0xFFFFFF80  }
0xa6: {  	_ =	swait.ge [sflag:s12], $0x80  }
0xa7: {  	[sflag:s12] =	ssyncset.done $0x0  }
0xa8: {  	[sflag:s12] =	ssyncadd.s32 $0xFFFFFF80  }
0xa9: {  	_ =	swait.ge [sflag:s12], $0x80  }
0xaa: {  	[sflag:s12] =	ssyncset.done $0x0  }
0xab: {  	[sflag:s12] =	ssyncadd.s32 $0xFFFFFF80  }
0xac: {  	_ =	swait.ge [sflag:s12], $0x80  }
0xad: {  	[sflag:s12] =	ssyncset.done $0x0  }
0xae: {  	[sflag:s12] =	ssyncadd.s32 $0xFFFFFF80  }
0xaf: {  	_ =	swait.ge [sflag:s12], $0x80  }
0xb0: {  	[sflag:s12] =	ssyncset.done $0x0  }
0xb1: {  	[sflag:s12] =	ssyncadd.s32 $0xFFFFFF80  }
0xb2: {  	_ =	swait.ge [sflag:s12], $0x80  }
0xb3: {  	[sflag:s12] =	ssyncset.done $0x0  }
0xb4: {  	[sflag:s12] =	ssyncadd.s32 $0xFFFFFF80  }
0xb5: {  	_ =	swait.ge [sflag:s12], $0x80  }
0xb6: {  	[sflag:s12] =	ssyncset.done $0x0  }
0xb7: {  	[sflag:s12] =	ssyncadd.s32 $0xFFFFFF80  }
0xb8: {  	_ =	swait.ge [sflag:s12], $0x80  }
0xb9: {  	[sflag:s12] =	ssyncset.done $0x0  }
0xba: {  	[sflag:s12] =	ssyncadd.s32 $0xFFFFFF80  }
0xbb: {  	_ =	swait.ge [sflag:s12], $0x80  }
0xbc: {  	[sflag:s12] =	ssyncset.done $0x0  }
0xbd: {  	[sflag:s12] =	ssyncadd.s32 $0xFFFFFF80  }
0xbe: {  	_ =	swait.ge [sflag:s12], $0x80  }
0xbf: {  	[sflag:s12] =	ssyncset.done $0x0  }
0xc0: {  	[sflag:s12] =	ssyncadd.s32 $0xFFFFFF80  }
0xc1: {  	_ =	swait.ge [sflag:s12], $0x80  }
0xc2: {  	[sflag:s12] =	ssyncset.done $0x0  }
0xc3: {  	[sflag:s12] =	ssyncadd.s32 $0xFFFFFF80  }
0xc4: {  	_ =	swait.ge [sflag:s12], $0x80  }
0xc5: {  	[sflag:s12] =	ssyncset.done $0x0  }
0xc6: {  	[sflag:s12] =	ssyncadd.s32 $0xFFFFFF80  }
0xc7: {  	_ =	swait.ge [sflag:s12], $0x80  }
0xc8: {  	[sflag:s12] =	ssyncset.done $0x0  }
0xc9: {  	[sflag:s12] =	ssyncadd.s32 $0xFFFFFF80  }
0xca: {  	_ =	swait.ge [sflag:s12], $0x80  }
0xcb: {  	[sflag:s12] =	ssyncset.done $0x0  }
0xcc: {  	[sflag:s12] =	ssyncadd.s32 $0xFFFFFF80  }
0xcd: {  	_ =	swait.ge [sflag:s12], $0x80  }
0xce: {  	[sflag:s12] =	ssyncset.done $0x0  }
0xcf: {  	[sflag:s12] =	ssyncadd.s32 $0xFFFFFF80  }
0xd0: {  	_ =	swait.ge [sflag:s12], $0x80  }
0xd1: {  	[sflag:s12] =	ssyncset.done $0x0  }
0xd2: {  	[sflag:s12] =	ssyncadd.s32 $0xFFFFFF80  }
0xd3: {  	_ =	swait.ge [sflag:s12], $0x80  }
0xd4: {  	[sflag:s12] =	ssyncset.done $0x0  }
0xd5: {  	[sflag:s12] =	ssyncadd.s32 $0xFFFFFF80  }
0xd6: {  	_ =	swait.ge [sflag:s12], $0x80  }
0xd7: {  	[sflag:s12] =	ssyncset.done $0x0  }
0xd8: {  	[sflag:s12] =	ssyncadd.s32 $0xFFFFFF80  }
0xd9: {  	_ =	swait.ge [sflag:s12], $0x80  }
0xda: {  	[sflag:s12] =	ssyncset.done $0x0  }
0xdb: {  	[sflag:s12] =	ssyncadd.s32 $0xFFFFFF80  }
0xdc: {  	_ =	swait.ge [sflag:s12], $0x80  }
0xdd: {  	[sflag:s12] =	ssyncset.done $0x0  }
0xde: {  	[sflag:s12] =	ssyncadd.s32 $0xFFFFFF80  }
0xdf: {  	_ =	swait.ge [sflag:s12], $0x80  }
0xe0: {  	[sflag:s12] =	ssyncset.done $0x0  }
0xe1: {  	[sflag:s12] =	ssyncadd.s32 $0xFFFFFF80  }
0xe2: {  	_ =	swait.ge [sflag:s12], $0x80  }
0xe3: {  	[sflag:s12] =	ssyncset.done $0x0  }
0xe4: {  	[sflag:s12] =	ssyncadd.s32 $0xFFFFFF80  }
0xe5: {  	s23 =	sadd.s32 $0x1, s23;
	_ =	swait.ge [sflag:s12], $0x80  }
0xe6: {  	p0 =	sne.s32 s23, s10;
	s30 =	stileid.u32;
	[sflag:s12] =	ssyncset.done $0x0  }
0xe7: {  	s31 =	sshrl.u32 s4, $0x3;
	s0 =	sshll.u32 s30, $0x6;
	[sflag:s12] =	ssyncadd.s32 $0xFFFFFF80  }
.Ltmp3:
0xe8: {  	s0 =	sor.u32 $0x1C03, s0;
	[bflag:$0x0] =	sbarrier.arrive $0xFFFF;
	(pc) =	sbr.rel @p0 .LBB2_1-.Ltmp3, $4  }
0xe9: {  	[hbm:s9], [sflag:s0] =	dma.local [spmem:s31], $0x1000  }
0xea: {  	_ =	swait.ge [sflag:s22], $0x1000  }
0xeb: {  	[sflag:s22] =	ssyncset.done $0x0  }
0xec: {  	[sflag:s22] =	ssyncadd.s32 $0xFFFFF000  }
0xed: {  	_ =	sfence.sel $0x180000  }
0xee: {  	[bflag:$0x0] =	sbarrier.arrive $0xFFFF  }
0xef: {  	_ =	strace $0x90000047  }
0xf0: {  	s0 =	stileid.u32;
	[bflag:$0x2] =	sbarrier.arrive $0xFFFF  }
0xf1: {  	p0 =	sne.s32 s0, $0x0;
	s0 =	rddreg [dreg:$0x3]  }
0xf2: {  	s0 =	sadd.s32 @!p0 $0x100000, s0  }
0xf3: {  	[sflag:s0] =	ssyncadd.tile.s32 @!p0 $0x1;
	_ =	shalt  }
.Lfunc_end2:
_tile_overlayer_lowered:
.L_overlay_start_2:
0xf4: {  	(tag) =	ssettag $0x2  }
0xf5: {  	s0 =	rddreg [dreg:$0x0];
	s2 =	stileid.u32  }
0xf6: {  	s1 =	rddreg [dreg:$0x1];
	p0 =	sne.s32 s2, $0x0  }
0xf7: {  	s3 =	rddreg [dreg:$0x2];
	[bflag:$0x3] =	sbarrier.arrive $0xFFFF;
	s2 =	simm.s32 @!p0 $0x1C03  }
0xf8: {  	[timem:s3], [sflag:s2] =	dma.local @!p0 [hbm:s0], s1  }
0xf9: {  	s0 =	simm.s32 @!p0 $0x3  }
0xfa: {  	_ =	swait.ge @!p0 [sflag:s0], s1  }
0xfb: {  	s1 =	ssub.s32 @!p0 $0x0, s1;
	[sflag:s0] =	ssyncset.done @!p0 $0x0  }
0xfc: {  	[sflag:s0] =	ssyncadd.s32 @!p0 s1  }
0xfd: {  	[bflag:$0x3] =	sbarrier.arrive $0xFFFF  }
0xfe: {  	_ =	shalt  }

</sc_bundles>
